<compile_context>
chip_gen: v7x
topology: tpu7x:2x2x1
jax: 0.10.2.dev20260603
libtpu: 0.0.44.dev20260713+nightly
codegen_flags: <defaults>
</compile_context>

<pallas_src>
import functools
import jax
import jax.numpy as jnp
from jax import lax
from jax.experimental import pallas as pl
from jax.experimental.pallas import tpu as pltpu
from jax.experimental.pallas import tpu_sc as plsc

L = 16
CH = 128
PASS = 256


def _cf_kernel_body(bpw, kd, uid_hbm, iid_hbm, ut_hbm, it_hbm, w_hbm,
                    b_hbm, out_hbm, uidx_v, iidx_v, upair_v, ipair_v,
                    upar_v, ipar_v, urows_v, irows_v, w_v, b_v, out_v,
                    sem):
    c = lax.axis_index("c")
    s = lax.axis_index("s")
    wid = s * 2 + c

    pltpu.sync_copy(uid_hbm.at[wid], uidx_v)
    pltpu.sync_copy(iid_hbm.at[wid], iidx_v)
    pltpu.sync_copy(w_hbm, w_v)
    pltpu.sync_copy(b_hbm, b_v)

    wk = [w_v[pl.ds(k * L, L)] for k in range(kd)]
    iota = lax.iota(jnp.int32, L)
    bias = b_v[...] * (1.0 / L)
    dn = lax.GatherDimensionNumbers(offset_dims=(),
                                    collapsed_slice_dims=(0,),
                                    start_index_map=(0,))
    perms = [(iota ^ (1 << t)).reshape(L, 1) for t in range(4)]
    masks = [(iota & (1 << t)) != 0 for t in range(4)]
    splats = [jnp.full((L, 1), j, jnp.int32) for j in range(L)]

    def shuf(v, t):
        return lax.gather(v, perms[t], dn, (1,),
                          mode=lax.GatherScatterMode.PROMISE_IN_BOUNDS)

    def bcast(v, j):
        return lax.gather(v, splats[j], dn, (1,),
                          mode=lax.GatherScatterMode.PROMISE_IN_BOUNDS)

    nch = PASS // CH
    half = kd * L

    for p in range(bpw // PASS):
        for r in range(nch):
            for v in range(CH // L):
                uvec = uidx_v[p * nch + r, pl.ds(v * L, L)]
                ivec = iidx_v[p * nch + r, pl.ds(v * L, L)]
                upair_v[r, pl.ds(v * L, L)] = lax.shift_right_logical(uvec, 1)
                ipair_v[r, pl.ds(v * L, L)] = lax.shift_right_logical(ivec, 1)
                upar_v[r, pl.ds(v * L, L)] = (uvec & 1).astype(jnp.float32)
                ipar_v[r, pl.ds(v * L, L)] = (ivec & 1).astype(jnp.float32)
        pass

        def group_body(g, _):
            base = g * L
            upvec = upar_v[g // 8, pl.ds((g % 8) * L, L)]
            ipvec = ipar_v[g // 8, pl.ds((g % 8) * L, L)]
            accs = []
            for j in range(L):
                e = base + j
                up = bcast(upvec, j)
                ip = bcast(ipvec, j)
                acc = bias
                for k in range(kd):
                    ulo = urows_v[e, pl.ds(k * L, L)]
                    uhi = urows_v[e, pl.ds(half + k * L, L)]
                    ilo = irows_v[e, pl.ds(k * L, L)]
                    ihi = irows_v[e, pl.ds(half + k * L, L)]
                    u = ulo + (uhi - ulo) * up
                    it = ilo + (ihi - ilo) * ip
                    acc = acc + (u * it) * wk[k]
                accs.append(acc)
            vs = accs
            for t in range(4):
                nxt = []
                for q in range(len(vs) // 2):
                    a, b = vs[2 * q], vs[2 * q + 1]
                    nxt.append(jnp.where(masks[t],
                                         b + shuf(b, t), a + shuf(a, t)))
                vs = nxt
            out_v[pl.ds(base, L)] = vs[0]
            return 0

        pltpu.sync_copy(out_v, out_hbm.at[pl.ds(wid * bpw + p * PASS, PASS)])


def kernel(user_ids, item_ids, user_table, item_table, fc_w, fc_b):
    B = user_ids.shape[0]
    H = user_table.shape[1]
    kd = H // L
    nw = 32
    bpw = B // nw

    uid = user_ids.astype(jnp.int32).reshape(nw, bpw // CH, CH)
    iid = item_ids.astype(jnp.int32).reshape(nw, bpw // CH, CH)
    utp = user_table.reshape(user_table.shape[0] // 2, 2 * H)
    itp = item_table.reshape(item_table.shape[0] // 2, 2 * H)
    w = fc_w.reshape(H)
    b = jnp.broadcast_to(fc_b.reshape(1), (L,))

    mesh = plsc.VectorSubcoreMesh(core_axis_name="c", subcore_axis_name="s")
    out = pl.kernel(
        functools.partial(_cf_kernel_body, bpw, kd),
        mesh=mesh,
        compiler_params=pltpu.CompilerParams(use_tc_tiling_on_sc=False),
        out_type=jax.ShapeDtypeStruct((B,), jnp.float32),
        scratch_types=[
            pltpu.VMEM((bpw // CH, CH), jnp.int32),
            pltpu.VMEM((bpw // CH, CH), jnp.int32),
            pltpu.VMEM((PASS // CH, CH), jnp.int32),
            pltpu.VMEM((PASS // CH, CH), jnp.int32),
            pltpu.VMEM((PASS // CH, CH), jnp.float32),
            pltpu.VMEM((PASS // CH, CH), jnp.float32),
            pltpu.VMEM((PASS, 2 * H), jnp.float32),
            pltpu.VMEM((PASS, 2 * H), jnp.float32),
            pltpu.VMEM((kd * L,), jnp.float32),
            pltpu.VMEM((L,), jnp.float32),
            pltpu.VMEM((PASS,), jnp.float32),
            pltpu.SemaphoreType.DMA,
        ],
    )(uid, iid, utp, itp, w, b)
    return out.reshape(B, 1)

# --- scband reference (transcript-rebuilt; emitter-appended) ---
"""Pipeline reference for scband-cfmodel-87050397155884 (READ-ONLY COPY).

The authoritative reference and input builder live on the scoring server;
editing this copy changes nothing except your own understanding.
"""

import jax, jax.numpy as jnp
import numpy as np

N_USERS = 1000000
N_ITEMS = 100000
HIDDEN = 64
BATCH = 16384

def setup_inputs(seed: int = 0) -> dict:
    key = jax.random.key(seed)
    k1, k2, k3, k4, k5, k6 = jax.random.split(key, 6)
    user_ids = jax.random.randint(k1, (BATCH,), 0, N_USERS, dtype=jnp.int64 if jax.config.jax_enable_x64 else jnp.int32)
    item_ids = jax.random.randint(k2, (BATCH,), 0, N_ITEMS, dtype=jnp.int64 if jax.config.jax_enable_x64 else jnp.int32)
    user_table = jax.random.normal(k3, (N_USERS, HIDDEN), dtype=jnp.float32)
    item_table = jax.random.normal(k4, (N_ITEMS, HIDDEN), dtype=jnp.float32)
    fc_w = jax.random.normal(k5, (HIDDEN, 1), dtype=jnp.float32) * (1.0 / np.sqrt(HIDDEN))
    fc_b = jax.random.normal(k6, (1,), dtype=jnp.float32) * 0.01
    return {"user_ids": user_ids, "item_ids": item_ids, "user_table": user_table, "item_table": item_table, "fc_w": fc_w, "fc_b": fc_b}

def reference(user_ids, item_ids, user_table, item_table, fc_w, fc_b):
    user_emb = jnp.take(user_table, user_ids, axis=0)
    item_emb = jnp.take(item_table, item_ids, axis=0)
    combined = user_emb * item_emb
    out = combined @ fc_w + fc_b
    return out

if __name__ == "__main__":
    import jax
    _d = setup_inputs()
    print(jax.jit(kernel)(*tuple(_d.values())))

</pallas_src>

<mosaic_0001>
#map = affine_map<(d0, d1) -> (0, 0, 0)>
#map1 = affine_map<(d0, d1) -> (0, 0)>
#map2 = affine_map<(d0, d1) -> (0)>
module attributes {stable_mosaic.version = 14 : i64} {
  func.func @_cf_kernel_body(%arg0: i32, %arg1: i32, %arg2: memref<32x4x128xi32, #tpu.memory_space<hbm>>, %arg3: memref<32x4x128xi32, #tpu.memory_space<hbm>>, %arg4: memref<500000x128xf32, #tpu.memory_space<hbm>>, %arg5: memref<50000x128xf32, #tpu.memory_space<hbm>>, %arg6: memref<64xf32, #tpu.memory_space<hbm>>, %arg7: memref<16xf32, #tpu.memory_space<hbm>>, %arg8: memref<16384xf32, #tpu.memory_space<hbm>>, %arg9: memref<4x128xi32, #tpu.memory_space<vmem>>, %arg10: memref<4x128xi32, #tpu.memory_space<vmem>>, %arg11: memref<2x128xi32, #tpu.memory_space<vmem>>, %arg12: memref<2x128xi32, #tpu.memory_space<vmem>>, %arg13: memref<2x128xf32, #tpu.memory_space<vmem>>, %arg14: memref<2x128xf32, #tpu.memory_space<vmem>>, %arg15: memref<256x128xf32, #tpu.memory_space<vmem>>, %arg16: memref<256x128xf32, #tpu.memory_space<vmem>>, %arg17: memref<64xf32, #tpu.memory_space<vmem>>, %arg18: memref<16xf32, #tpu.memory_space<vmem>>, %arg19: memref<256xf32, #tpu.memory_space<vmem>>, %arg20: memref<!tpu.dma_semaphore, #tpu.memory_space<semaphore_mem>>) attributes {dimension_semantics = [#tpu.dimension_semantics<core_parallel>, #tpu.dimension_semantics<subcore_parallel>], iteration_bounds = array<i64: 2, 16>, scalar_prefetch = 0 : i64, scratch_operands = 12 : i64, tpu.core_type = #tpu.core_type<sc_vector_subcore>, window_params = [{transform_indices = #map}, {transform_indices = #map}, {transform_indices = #map1}, {transform_indices = #map1}, {transform_indices = #map2}, {transform_indices = #map2}, {transform_indices = #map2}]} {
    %mul3A = arith.constant 2 : i32
    %mul3A_0 = arith.muli %arg1, %mul3A : i32
    %add3A = arith.addi %mul3A_0, %arg0 : i32
    "tpu.region"() ({
      %run_scoped3A = tpu.sem_alloc : memref<!tpu.dma_semaphore, #tpu.memory_space<semaphore_mem>>
      %dma_start3A = arith.constant 0 : i32
      %dma_start3A_1626 = arith.constant 0 : i32
      %dma_start3A_1627 = tpu.memref_slice %arg2[%add3A, %dma_start3A, %dma_start3A_1626] : memref<32x4x128xi32, #tpu.memory_space<hbm>> -> memref<1x4x128xi32, #tpu.memory_space<hbm>>
      %dma_start3A_1628 = tpu.memref_squeeze %dma_start3A_1627 : memref<1x4x128xi32, #tpu.memory_space<hbm>> -> memref<4x128xi32, #tpu.memory_space<hbm>>
      %dma_start3A_1629 = arith.constant 0 : i32
      %dma_start3A_1630 = arith.constant 0 : i32
      %dma_start3A_1631 = tpu.memref_slice %arg2[%add3A, %dma_start3A_1629, %dma_start3A_1630] : memref<32x4x128xi32, #tpu.memory_space<hbm>> -> memref<1x4x128xi32, #tpu.memory_space<hbm>>
      %dma_start3A_1632 = tpu.memref_squeeze %dma_start3A_1631 : memref<1x4x128xi32, #tpu.memory_space<hbm>> -> memref<4x128xi32, #tpu.memory_space<hbm>>
      tpu.enqueue_dma source(%dma_start3A_1632 : memref<4x128xi32, #tpu.memory_space<hbm>>) target(%arg9 : memref<4x128xi32, #tpu.memory_space<vmem>>) target_semaphore(%run_scoped3A : memref<!tpu.dma_semaphore, #tpu.memory_space<semaphore_mem>>)
      %dma_wait3A = arith.constant 0 : i32
      %dma_wait3A_1633 = arith.constant 0 : i32
      %dma_wait3A_1634 = tpu.memref_slice %arg2[%add3A, %dma_wait3A, %dma_wait3A_1633] : memref<32x4x128xi32, #tpu.memory_space<hbm>> -> memref<1x4x128xi32, #tpu.memory_space<hbm>>
      %dma_wait3A_1635 = tpu.memref_squeeze %dma_wait3A_1634 : memref<1x4x128xi32, #tpu.memory_space<hbm>> -> memref<4x128xi32, #tpu.memory_space<hbm>>
      %dma_wait3A_1636 = arith.constant 0 : i32
      %dma_wait3A_1637 = arith.constant 0 : i32
      %dma_wait3A_1638 = tpu.memref_slice %arg2[%add3A, %dma_wait3A_1636, %dma_wait3A_1637] : memref<32x4x128xi32, #tpu.memory_space<hbm>> -> memref<1x4x128xi32, #tpu.memory_space<hbm>>
      %dma_wait3A_1639 = tpu.memref_squeeze %dma_wait3A_1638 : memref<1x4x128xi32, #tpu.memory_space<hbm>> -> memref<4x128xi32, #tpu.memory_space<hbm>>
      tpu.wait_dma2 semaphore(%run_scoped3A : memref<!tpu.dma_semaphore, #tpu.memory_space<semaphore_mem>>) src(%dma_wait3A_1639 : memref<4x128xi32, #tpu.memory_space<hbm>>) dst(%arg9 : memref<4x128xi32, #tpu.memory_space<vmem>>)
      tpu.yield
    }) : () -> ()
    "tpu.region"() ({
      %run_scoped3A = tpu.sem_alloc : memref<!tpu.dma_semaphore, #tpu.memory_space<semaphore_mem>>
      %dma_start3A = arith.constant 0 : i32
      %dma_start3A_1626 = arith.constant 0 : i32
      %dma_start3A_1627 = tpu.memref_slice %arg3[%add3A, %dma_start3A, %dma_start3A_1626] : memref<32x4x128xi32, #tpu.memory_space<hbm>> -> memref<1x4x128xi32, #tpu.memory_space<hbm>>
      %dma_start3A_1628 = tpu.memref_squeeze %dma_start3A_1627 : memref<1x4x128xi32, #tpu.memory_space<hbm>> -> memref<4x128xi32, #tpu.memory_space<hbm>>
      %dma_start3A_1629 = arith.constant 0 : i32
      %dma_start3A_1630 = arith.constant 0 : i32
      %dma_start3A_1631 = tpu.memref_slice %arg3[%add3A, %dma_start3A_1629, %dma_start3A_1630] : memref<32x4x128xi32, #tpu.memory_space<hbm>> -> memref<1x4x128xi32, #tpu.memory_space<hbm>>
      %dma_start3A_1632 = tpu.memref_squeeze %dma_start3A_1631 : memref<1x4x128xi32, #tpu.memory_space<hbm>> -> memref<4x128xi32, #tpu.memory_space<hbm>>
      tpu.enqueue_dma source(%dma_start3A_1632 : memref<4x128xi32, #tpu.memory_space<hbm>>) target(%arg10 : memref<4x128xi32, #tpu.memory_space<vmem>>) target_semaphore(%run_scoped3A : memref<!tpu.dma_semaphore, #tpu.memory_space<semaphore_mem>>)
      %dma_wait3A = arith.constant 0 : i32
      %dma_wait3A_1633 = arith.constant 0 : i32
      %dma_wait3A_1634 = tpu.memref_slice %arg3[%add3A, %dma_wait3A, %dma_wait3A_1633] : memref<32x4x128xi32, #tpu.memory_space<hbm>> -> memref<1x4x128xi32, #tpu.memory_space<hbm>>
      %dma_wait3A_1635 = tpu.memref_squeeze %dma_wait3A_1634 : memref<1x4x128xi32, #tpu.memory_space<hbm>> -> memref<4x128xi32, #tpu.memory_space<hbm>>
      %dma_wait3A_1636 = arith.constant 0 : i32
      %dma_wait3A_1637 = arith.constant 0 : i32
      %dma_wait3A_1638 = tpu.memref_slice %arg3[%add3A, %dma_wait3A_1636, %dma_wait3A_1637] : memref<32x4x128xi32, #tpu.memory_space<hbm>> -> memref<1x4x128xi32, #tpu.memory_space<hbm>>
      %dma_wait3A_1639 = tpu.memref_squeeze %dma_wait3A_1638 : memref<1x4x128xi32, #tpu.memory_space<hbm>> -> memref<4x128xi32, #tpu.memory_space<hbm>>
      tpu.wait_dma2 semaphore(%run_scoped3A : memref<!tpu.dma_semaphore, #tpu.memory_space<semaphore_mem>>) src(%dma_wait3A_1639 : memref<4x128xi32, #tpu.memory_space<hbm>>) dst(%arg10 : memref<4x128xi32, #tpu.memory_space<vmem>>)
      tpu.yield
    }) : () -> ()
    "tpu.region"() ({
      %run_scoped3A = tpu.sem_alloc : memref<!tpu.dma_semaphore, #tpu.memory_space<semaphore_mem>>
      tpu.enqueue_dma source(%arg6 : memref<64xf32, #tpu.memory_space<hbm>>) target(%arg17 : memref<64xf32, #tpu.memory_space<vmem>>) target_semaphore(%run_scoped3A : memref<!tpu.dma_semaphore, #tpu.memory_space<semaphore_mem>>)
      tpu.wait_dma2 semaphore(%run_scoped3A : memref<!tpu.dma_semaphore, #tpu.memory_space<semaphore_mem>>) src(%arg6 : memref<64xf32, #tpu.memory_space<hbm>>) dst(%arg17 : memref<64xf32, #tpu.memory_space<vmem>>)
      tpu.yield
    }) : () -> ()
    "tpu.region"() ({
      %run_scoped3A = tpu.sem_alloc : memref<!tpu.dma_semaphore, #tpu.memory_space<semaphore_mem>>
      tpu.enqueue_dma source(%arg7 : memref<16xf32, #tpu.memory_space<hbm>>) target(%arg18 : memref<16xf32, #tpu.memory_space<vmem>>) target_semaphore(%run_scoped3A : memref<!tpu.dma_semaphore, #tpu.memory_space<semaphore_mem>>)
      tpu.wait_dma2 semaphore(%run_scoped3A : memref<!tpu.dma_semaphore, #tpu.memory_space<semaphore_mem>>) src(%arg7 : memref<16xf32, #tpu.memory_space<hbm>>) dst(%arg18 : memref<16xf32, #tpu.memory_space<vmem>>)
      tpu.yield
    }) : () -> ()
    %get3A = arith.constant 0 : index
    %get3A_1 = tpu.vector_load %arg17[%get3A] {strides = array<i32>} : memref<64xf32, #tpu.memory_space<vmem>>, vector<16xf32>,
    %get3A_2 = vector.shape_cast %get3A_1 : vector<16xf32> to vector<16xf32>
    %get3A_3 = arith.constant 16 : index
    %get3A_4 = tpu.vector_load %arg17[%get3A_3] {strides = array<i32>} : memref<64xf32, #tpu.memory_space<vmem>>, vector<16xf32>,
    %get3A_5 = vector.shape_cast %get3A_4 : vector<16xf32> to vector<16xf32>
    %get3A_6 = arith.constant 32 : index
    %get3A_7 = tpu.vector_load %arg17[%get3A_6] {strides = array<i32>} : memref<64xf32, #tpu.memory_space<vmem>>, vector<16xf32>,
    %get3A_8 = vector.shape_cast %get3A_7 : vector<16xf32> to vector<16xf32>
    %get3A_9 = arith.constant 48 : index
    %get3A_10 = tpu.vector_load %arg17[%get3A_9] {strides = array<i32>} : memref<64xf32, #tpu.memory_space<vmem>>, vector<16xf32>,
    %get3A_11 = vector.shape_cast %get3A_10 : vector<16xf32> to vector<16xf32>
    %iota3A = tpu.iota {dimensions = array<i32: 0>} : vector<16xi32>
    %get3A_12 = arith.constant 0 : index
    %get3A_13 = tpu.vector_load %arg18[%get3A_12] {strides = array<i32>} : memref<16xf32, #tpu.memory_space<vmem>>, vector<16xf32>,
    %get3A_14 = vector.shape_cast %get3A_13 : vector<16xf32> to vector<16xf32>
    %mul3A_15 = arith.constant 6.250000e-02 : f32
    %mul3A_16 = vector.broadcast %mul3A_15 : f32 to vector<16xf32>
    %mul3A_17 = arith.mulf %get3A_14, %mul3A_16 : vector<16xf32>
    %xor3A = arith.constant 1 : i32
    %xor3A_18 = vector.broadcast %xor3A : i32 to vector<16xi32>
    %xor3A_19 = arith.xori %iota3A, %xor3A_18 : vector<16xi32>
    %reshape3A = vector.shape_cast %xor3A_19 : vector<16xi32> to vector<16x1xi32>
    %xor3A_20 = arith.constant 2 : i32
    %xor3A_21 = vector.broadcast %xor3A_20 : i32 to vector<16xi32>
    %xor3A_22 = arith.xori %iota3A, %xor3A_21 : vector<16xi32>
    %reshape3A_23 = vector.shape_cast %xor3A_22 : vector<16xi32> to vector<16x1xi32>
    %xor3A_24 = arith.constant 4 : i32
    %xor3A_25 = vector.broadcast %xor3A_24 : i32 to vector<16xi32>
    %xor3A_26 = arith.xori %iota3A, %xor3A_25 : vector<16xi32>
    %reshape3A_27 = vector.shape_cast %xor3A_26 : vector<16xi32> to vector<16x1xi32>
    %xor3A_28 = arith.constant 8 : i32
    %xor3A_29 = vector.broadcast %xor3A_28 : i32 to vector<16xi32>
    %xor3A_30 = arith.xori %iota3A, %xor3A_29 : vector<16xi32>
    %reshape3A_31 = vector.shape_cast %xor3A_30 : vector<16xi32> to vector<16x1xi32>
    %and3A = arith.constant 1 : i32
    %and3A_32 = vector.broadcast %and3A : i32 to vector<16xi32>
    %and3A_33 = arith.andi %iota3A, %and3A_32 : vector<16xi32>
    %ne3A = arith.constant 0 : i32
    %ne3A_34 = vector.broadcast %ne3A : i32 to vector<16xi32>
    %ne3A_35 = arith.cmpi ne, %and3A_33, %ne3A_34 : vector<16xi32>
    %and3A_36 = arith.constant 2 : i32
    %and3A_37 = vector.broadcast %and3A_36 : i32 to vector<16xi32>
    %and3A_38 = arith.andi %iota3A, %and3A_37 : vector<16xi32>
    %ne3A_39 = arith.constant 0 : i32
    %ne3A_40 = vector.broadcast %ne3A_39 : i32 to vector<16xi32>
    %ne3A_41 = arith.cmpi ne, %and3A_38, %ne3A_40 : vector<16xi32>
    %and3A_42 = arith.constant 4 : i32
    %and3A_43 = vector.broadcast %and3A_42 : i32 to vector<16xi32>
    %and3A_44 = arith.andi %iota3A, %and3A_43 : vector<16xi32>
    %ne3A_45 = arith.constant 0 : i32
    %ne3A_46 = vector.broadcast %ne3A_45 : i32 to vector<16xi32>
    %ne3A_47 = arith.cmpi ne, %and3A_44, %ne3A_46 : vector<16xi32>
    %and3A_48 = arith.constant 8 : i32
    %and3A_49 = vector.broadcast %and3A_48 : i32 to vector<16xi32>
    %and3A_50 = arith.andi %iota3A, %and3A_49 : vector<16xi32>
    %ne3A_51 = arith.constant 0 : i32
    %ne3A_52 = vector.broadcast %ne3A_51 : i32 to vector<16xi32>
    %ne3A_53 = arith.cmpi ne, %and3A_50, %ne3A_52 : vector<16xi32>
    %broadcast_in_dim3A = arith.constant 0 : i32
    %broadcast_in_dim3A_54 = vector.broadcast %broadcast_in_dim3A : i32 to vector<16x1xi32>
    %broadcast_in_dim3A_55 = arith.constant 1 : i32
    %broadcast_in_dim3A_56 = vector.broadcast %broadcast_in_dim3A_55 : i32 to vector<16x1xi32>
    %broadcast_in_dim3A_57 = arith.constant 2 : i32
    %broadcast_in_dim3A_58 = vector.broadcast %broadcast_in_dim3A_57 : i32 to vector<16x1xi32>
    %broadcast_in_dim3A_59 = arith.constant 3 : i32
    %broadcast_in_dim3A_60 = vector.broadcast %broadcast_in_dim3A_59 : i32 to vector<16x1xi32>
    %broadcast_in_dim3A_61 = arith.constant 4 : i32
    %broadcast_in_dim3A_62 = vector.broadcast %broadcast_in_dim3A_61 : i32 to vector<16x1xi32>
    %broadcast_in_dim3A_63 = arith.constant 5 : i32
    %broadcast_in_dim3A_64 = vector.broadcast %broadcast_in_dim3A_63 : i32 to vector<16x1xi32>
    %broadcast_in_dim3A_65 = arith.constant 6 : i32
    %broadcast_in_dim3A_66 = vector.broadcast %broadcast_in_dim3A_65 : i32 to vector<16x1xi32>
    %broadcast_in_dim3A_67 = arith.constant 7 : i32
    %broadcast_in_dim3A_68 = vector.broadcast %broadcast_in_dim3A_67 : i32 to vector<16x1xi32>
    %broadcast_in_dim3A_69 = arith.constant 8 : i32
    %broadcast_in_dim3A_70 = vector.broadcast %broadcast_in_dim3A_69 : i32 to vector<16x1xi32>
    %broadcast_in_dim3A_71 = arith.constant 9 : i32
    %broadcast_in_dim3A_72 = vector.broadcast %broadcast_in_dim3A_71 : i32 to vector<16x1xi32>
    %broadcast_in_dim3A_73 = arith.constant 10 : i32
    %broadcast_in_dim3A_74 = vector.broadcast %broadcast_in_dim3A_73 : i32 to vector<16x1xi32>
    %broadcast_in_dim3A_75 = arith.constant 11 : i32
    %broadcast_in_dim3A_76 = vector.broadcast %broadcast_in_dim3A_75 : i32 to vector<16x1xi32>
    %broadcast_in_dim3A_77 = arith.constant 12 : i32
    %broadcast_in_dim3A_78 = vector.broadcast %broadcast_in_dim3A_77 : i32 to vector<16x1xi32>
    %broadcast_in_dim3A_79 = arith.constant 13 : i32
    %broadcast_in_dim3A_80 = vector.broadcast %broadcast_in_dim3A_79 : i32 to vector<16x1xi32>
    %broadcast_in_dim3A_81 = arith.constant 14 : i32
    %broadcast_in_dim3A_82 = vector.broadcast %broadcast_in_dim3A_81 : i32 to vector<16x1xi32>
    %broadcast_in_dim3A_83 = arith.constant 15 : i32
    %broadcast_in_dim3A_84 = vector.broadcast %broadcast_in_dim3A_83 : i32 to vector<16x1xi32>
    %get3A_85 = arith.constant 0 : i32
    %get3A_86 = arith.index_cast %get3A_85 : i32 to index
    %get3A_87 = arith.constant 0 : index
    %get3A_88 = tpu.vector_load %arg9[%get3A_86, %get3A_87] {strides = array<i32>} : memref<4x128xi32, #tpu.memory_space<vmem>>, vector<1x16xi32>,
    %get3A_89 = vector.shape_cast %get3A_88 : vector<1x16xi32> to vector<16xi32>
    %get3A_90 = arith.constant 0 : i32
    %get3A_91 = arith.index_cast %get3A_90 : i32 to index
    %get3A_92 = arith.constant 0 : index
    %get3A_93 = tpu.vector_load %arg10[%get3A_91, %get3A_92] {strides = array<i32>} : memref<4x128xi32, #tpu.memory_space<vmem>>, vector<1x16xi32>,
    %get3A_94 = vector.shape_cast %get3A_93 : vector<1x16xi32> to vector<16xi32>
    %shift_right_logical3A = arith.constant 1 : i32
    %shift_right_logical3A_95 = vector.broadcast %shift_right_logical3A : i32 to vector<16xi32>
    %shift_right_logical3A_96 = arith.shrui %get3A_89, %shift_right_logical3A_95 : vector<16xi32>
    %swap3A = arith.constant 0 : i32
    %swap3A_97 = arith.index_cast %swap3A : i32 to index
    %swap3A_98 = arith.constant 0 : index
    %swap3A_99 = tpu.vector_load %arg11[%swap3A_97, %swap3A_98] {strides = array<i32>} : memref<2x128xi32, #tpu.memory_space<vmem>>, vector<1x16xi32>,
    %swap3A_100 = vector.shape_cast %swap3A_99 : vector<1x16xi32> to vector<16xi32>
    %swap3A_101 = vector.shape_cast %shift_right_logical3A_96 : vector<16xi32> to vector<1x16xi32>
    tpu.vector_store %arg11[%swap3A_97, %swap3A_98], %swap3A_101 {strides = array<i32>} : memref<2x128xi32, #tpu.memory_space<vmem>>, vector<1x16xi32>,
    %shift_right_logical3A_102 = arith.constant 1 : i32
    %shift_right_logical3A_103 = vector.broadcast %shift_right_logical3A_102 : i32 to vector<16xi32>
    %shift_right_logical3A_104 = arith.shrui %get3A_94, %shift_right_logical3A_103 : vector<16xi32>
    %swap3A_105 = arith.constant 0 : i32
    %swap3A_106 = arith.index_cast %swap3A_105 : i32 to index
    %swap3A_107 = arith.constant 0 : index
    %swap3A_108 = tpu.vector_load %arg12[%swap3A_106, %swap3A_107] {strides = array<i32>} : memref<2x128xi32, #tpu.memory_space<vmem>>, vector<1x16xi32>,
    %swap3A_109 = vector.shape_cast %swap3A_108 : vector<1x16xi32> to vector<16xi32>
    %swap3A_110 = vector.shape_cast %shift_right_logical3A_104 : vector<16xi32> to vector<1x16xi32>
    tpu.vector_store %arg12[%swap3A_106, %swap3A_107], %swap3A_110 {strides = array<i32>} : memref<2x128xi32, #tpu.memory_space<vmem>>, vector<1x16xi32>,
    %and3A_111 = arith.constant 1 : i32
    %and3A_112 = vector.broadcast %and3A_111 : i32 to vector<16xi32>
    %and3A_113 = arith.andi %get3A_89, %and3A_112 : vector<16xi32>
    %convert_element_type3A = arith.sitofp %and3A_113 : vector<16xi32> to vector<16xf32>
    %swap3A_114 = arith.constant 0 : i32
    %swap3A_115 = arith.index_cast %swap3A_114 : i32 to index
    %swap3A_116 = arith.constant 0 : index
    %swap3A_117 = tpu.vector_load %arg13[%swap3A_115, %swap3A_116] {strides = array<i32>} : memref<2x128xf32, #tpu.memory_space<vmem>>, vector<1x16xf32>,
    %swap3A_118 = vector.shape_cast %swap3A_117 : vector<1x16xf32> to vector<16xf32>
    %swap3A_119 = vector.shape_cast %convert_element_type3A : vector<16xf32> to vector<1x16xf32>
    tpu.vector_store %arg13[%swap3A_115, %swap3A_116], %swap3A_119 {strides = array<i32>} : memref<2x128xf32, #tpu.memory_space<vmem>>, vector<1x16xf32>,
    %and3A_120 = arith.constant 1 : i32
    %and3A_121 = vector.broadcast %and3A_120 : i32 to vector<16xi32>
    %and3A_122 = arith.andi %get3A_94, %and3A_121 : vector<16xi32>
    %convert_element_type3A_123 = arith.sitofp %and3A_122 : vector<16xi32> to vector<16xf32>
    %swap3A_124 = arith.constant 0 : i32
    %swap3A_125 = arith.index_cast %swap3A_124 : i32 to index
    %swap3A_126 = arith.constant 0 : index
    %swap3A_127 = tpu.vector_load %arg14[%swap3A_125, %swap3A_126] {strides = array<i32>} : memref<2x128xf32, #tpu.memory_space<vmem>>, vector<1x16xf32>,
    %swap3A_128 = vector.shape_cast %swap3A_127 : vector<1x16xf32> to vector<16xf32>
    %swap3A_129 = vector.shape_cast %convert_element_type3A_123 : vector<16xf32> to vector<1x16xf32>
    tpu.vector_store %arg14[%swap3A_125, %swap3A_126], %swap3A_129 {strides = array<i32>} : memref<2x128xf32, #tpu.memory_space<vmem>>, vector<1x16xf32>,
    %get3A_130 = arith.constant 0 : i32
    %get3A_131 = arith.index_cast %get3A_130 : i32 to index
    %get3A_132 = arith.constant 16 : index
    %get3A_133 = tpu.vector_load %arg9[%get3A_131, %get3A_132] {strides = array<i32>} : memref<4x128xi32, #tpu.memory_space<vmem>>, vector<1x16xi32>,
    %get3A_134 = vector.shape_cast %get3A_133 : vector<1x16xi32> to vector<16xi32>
    %get3A_135 = arith.constant 0 : i32
    %get3A_136 = arith.index_cast %get3A_135 : i32 to index
    %get3A_137 = arith.constant 16 : index
    %get3A_138 = tpu.vector_load %arg10[%get3A_136, %get3A_137] {strides = array<i32>} : memref<4x128xi32, #tpu.memory_space<vmem>>, vector<1x16xi32>,
    %get3A_139 = vector.shape_cast %get3A_138 : vector<1x16xi32> to vector<16xi32>
    %shift_right_logical3A_140 = arith.constant 1 : i32
    %shift_right_logical3A_141 = vector.broadcast %shift_right_logical3A_140 : i32 to vector<16xi32>
    %shift_right_logical3A_142 = arith.shrui %get3A_134, %shift_right_logical3A_141 : vector<16xi32>
    %swap3A_143 = arith.constant 0 : i32
    %swap3A_144 = arith.index_cast %swap3A_143 : i32 to index
    %swap3A_145 = arith.constant 16 : index
    %swap3A_146 = tpu.vector_load %arg11[%swap3A_144, %swap3A_145] {strides = array<i32>} : memref<2x128xi32, #tpu.memory_space<vmem>>, vector<1x16xi32>,
    %swap3A_147 = vector.shape_cast %swap3A_146 : vector<1x16xi32> to vector<16xi32>
    %swap3A_148 = vector.shape_cast %shift_right_logical3A_142 : vector<16xi32> to vector<1x16xi32>
    tpu.vector_store %arg11[%swap3A_144, %swap3A_145], %swap3A_148 {strides = array<i32>} : memref<2x128xi32, #tpu.memory_space<vmem>>, vector<1x16xi32>,
    %shift_right_logical3A_149 = arith.constant 1 : i32
    %shift_right_logical3A_150 = vector.broadcast %shift_right_logical3A_149 : i32 to vector<16xi32>
    %shift_right_logical3A_151 = arith.shrui %get3A_139, %shift_right_logical3A_150 : vector<16xi32>
    %swap3A_152 = arith.constant 0 : i32
    %swap3A_153 = arith.index_cast %swap3A_152 : i32 to index
    %swap3A_154 = arith.constant 16 : index
    %swap3A_155 = tpu.vector_load %arg12[%swap3A_153, %swap3A_154] {strides = array<i32>} : memref<2x128xi32, #tpu.memory_space<vmem>>, vector<1x16xi32>,
    %swap3A_156 = vector.shape_cast %swap3A_155 : vector<1x16xi32> to vector<16xi32>
    %swap3A_157 = vector.shape_cast %shift_right_logical3A_151 : vector<16xi32> to vector<1x16xi32>
    tpu.vector_store %arg12[%swap3A_153, %swap3A_154], %swap3A_157 {strides = array<i32>} : memref<2x128xi32, #tpu.memory_space<vmem>>, vector<1x16xi32>,
    %and3A_158 = arith.constant 1 : i32
    %and3A_159 = vector.broadcast %and3A_158 : i32 to vector<16xi32>
    %and3A_160 = arith.andi %get3A_134, %and3A_159 : vector<16xi32>
    %convert_element_type3A_161 = arith.sitofp %and3A_160 : vector<16xi32> to vector<16xf32>
    %swap3A_162 = arith.constant 0 : i32
    %swap3A_163 = arith.index_cast %swap3A_162 : i32 to index
    %swap3A_164 = arith.constant 16 : index
    %swap3A_165 = tpu.vector_load %arg13[%swap3A_163, %swap3A_164] {strides = array<i32>} : memref<2x128xf32, #tpu.memory_space<vmem>>, vector<1x16xf32>,
    %swap3A_166 = vector.shape_cast %swap3A_165 : vector<1x16xf32> to vector<16xf32>
    %swap3A_167 = vector.shape_cast %convert_element_type3A_161 : vector<16xf32> to vector<1x16xf32>
    tpu.vector_store %arg13[%swap3A_163, %swap3A_164], %swap3A_167 {strides = array<i32>} : memref<2x128xf32, #tpu.memory_space<vmem>>, vector<1x16xf32>,
    %and3A_168 = arith.constant 1 : i32
    %and3A_169 = vector.broadcast %and3A_168 : i32 to vector<16xi32>
    %and3A_170 = arith.andi %get3A_139, %and3A_169 : vector<16xi32>
    %convert_element_type3A_171 = arith.sitofp %and3A_170 : vector<16xi32> to vector<16xf32>
    %swap3A_172 = arith.constant 0 : i32
    %swap3A_173 = arith.index_cast %swap3A_172 : i32 to index
    %swap3A_174 = arith.constant 16 : index
    %swap3A_175 = tpu.vector_load %arg14[%swap3A_173, %swap3A_174] {strides = array<i32>} : memref<2x128xf32, #tpu.memory_space<vmem>>, vector<1x16xf32>,
    %swap3A_176 = vector.shape_cast %swap3A_175 : vector<1x16xf32> to vector<16xf32>
    %swap3A_177 = vector.shape_cast %convert_element_type3A_171 : vector<16xf32> to vector<1x16xf32>
    tpu.vector_store %arg14[%swap3A_173, %swap3A_174], %swap3A_177 {strides = array<i32>} : memref<2x128xf32, #tpu.memory_space<vmem>>, vector<1x16xf32>,
    %get3A_178 = arith.constant 0 : i32
    %get3A_179 = arith.index_cast %get3A_178 : i32 to index
    %get3A_180 = arith.constant 32 : index
    %get3A_181 = tpu.vector_load %arg9[%get3A_179, %get3A_180] {strides = array<i32>} : memref<4x128xi32, #tpu.memory_space<vmem>>, vector<1x16xi32>,
    %get3A_182 = vector.shape_cast %get3A_181 : vector<1x16xi32> to vector<16xi32>
    %get3A_183 = arith.constant 0 : i32
    %get3A_184 = arith.index_cast %get3A_183 : i32 to index
    %get3A_185 = arith.constant 32 : index
    %get3A_186 = tpu.vector_load %arg10[%get3A_184, %get3A_185] {strides = array<i32>} : memref<4x128xi32, #tpu.memory_space<vmem>>, vector<1x16xi32>,
    %get3A_187 = vector.shape_cast %get3A_186 : vector<1x16xi32> to vector<16xi32>
    %shift_right_logical3A_188 = arith.constant 1 : i32
    %shift_right_logical3A_189 = vector.broadcast %shift_right_logical3A_188 : i32 to vector<16xi32>
    %shift_right_logical3A_190 = arith.shrui %get3A_182, %shift_right_logical3A_189 : vector<16xi32>
    %swap3A_191 = arith.constant 0 : i32
    %swap3A_192 = arith.index_cast %swap3A_191 : i32 to index
    %swap3A_193 = arith.constant 32 : index
    %swap3A_194 = tpu.vector_load %arg11[%swap3A_192, %swap3A_193] {strides = array<i32>} : memref<2x128xi32, #tpu.memory_space<vmem>>, vector<1x16xi32>,
    %swap3A_195 = vector.shape_cast %swap3A_194 : vector<1x16xi32> to vector<16xi32>
    %swap3A_196 = vector.shape_cast %shift_right_logical3A_190 : vector<16xi32> to vector<1x16xi32>
    tpu.vector_store %arg11[%swap3A_192, %swap3A_193], %swap3A_196 {strides = array<i32>} : memref<2x128xi32, #tpu.memory_space<vmem>>, vector<1x16xi32>,
    %shift_right_logical3A_197 = arith.constant 1 : i32
    %shift_right_logical3A_198 = vector.broadcast %shift_right_logical3A_197 : i32 to vector<16xi32>
    %shift_right_logical3A_199 = arith.shrui %get3A_187, %shift_right_logical3A_198 : vector<16xi32>
    %swap3A_200 = arith.constant 0 : i32
    %swap3A_201 = arith.index_cast %swap3A_200 : i32 to index
    %swap3A_202 = arith.constant 32 : index
    %swap3A_203 = tpu.vector_load %arg12[%swap3A_201, %swap3A_202] {strides = array<i32>} : memref<2x128xi32, #tpu.memory_space<vmem>>, vector<1x16xi32>,
    %swap3A_204 = vector.shape_cast %swap3A_203 : vector<1x16xi32> to vector<16xi32>
    %swap3A_205 = vector.shape_cast %shift_right_logical3A_199 : vector<16xi32> to vector<1x16xi32>
    tpu.vector_store %arg12[%swap3A_201, %swap3A_202], %swap3A_205 {strides = array<i32>} : memref<2x128xi32, #tpu.memory_space<vmem>>, vector<1x16xi32>,
    %and3A_206 = arith.constant 1 : i32
    %and3A_207 = vector.broadcast %and3A_206 : i32 to vector<16xi32>
    %and3A_208 = arith.andi %get3A_182, %and3A_207 : vector<16xi32>
    %convert_element_type3A_209 = arith.sitofp %and3A_208 : vector<16xi32> to vector<16xf32>
    %swap3A_210 = arith.constant 0 : i32
    %swap3A_211 = arith.index_cast %swap3A_210 : i32 to index
    %swap3A_212 = arith.constant 32 : index
    %swap3A_213 = tpu.vector_load %arg13[%swap3A_211, %swap3A_212] {strides = array<i32>} : memref<2x128xf32, #tpu.memory_space<vmem>>, vector<1x16xf32>,
    %swap3A_214 = vector.shape_cast %swap3A_213 : vector<1x16xf32> to vector<16xf32>
    %swap3A_215 = vector.shape_cast %convert_element_type3A_209 : vector<16xf32> to vector<1x16xf32>
    tpu.vector_store %arg13[%swap3A_211, %swap3A_212], %swap3A_215 {strides = array<i32>} : memref<2x128xf32, #tpu.memory_space<vmem>>, vector<1x16xf32>,
    %and3A_216 = arith.constant 1 : i32
    %and3A_217 = vector.broadcast %and3A_216 : i32 to vector<16xi32>
    %and3A_218 = arith.andi %get3A_187, %and3A_217 : vector<16xi32>
    %convert_element_type3A_219 = arith.sitofp %and3A_218 : vector<16xi32> to vector<16xf32>
    %swap3A_220 = arith.constant 0 : i32
    %swap3A_221 = arith.index_cast %swap3A_220 : i32 to index
    %swap3A_222 = arith.constant 32 : index
    %swap3A_223 = tpu.vector_load %arg14[%swap3A_221, %swap3A_222] {strides = array<i32>} : memref<2x128xf32, #tpu.memory_space<vmem>>, vector<1x16xf32>,
    %swap3A_224 = vector.shape_cast %swap3A_223 : vector<1x16xf32> to vector<16xf32>
    %swap3A_225 = vector.shape_cast %convert_element_type3A_219 : vector<16xf32> to vector<1x16xf32>
    tpu.vector_store %arg14[%swap3A_221, %swap3A_222], %swap3A_225 {strides = array<i32>} : memref<2x128xf32, #tpu.memory_space<vmem>>, vector<1x16xf32>,
    %get3A_226 = arith.constant 0 : i32
    %get3A_227 = arith.index_cast %get3A_226 : i32 to index
    %get3A_228 = arith.constant 48 : index
    %get3A_229 = tpu.vector_load %arg9[%get3A_227, %get3A_228] {strides = array<i32>} : memref<4x128xi32, #tpu.memory_space<vmem>>, vector<1x16xi32>,
    %get3A_230 = vector.shape_cast %get3A_229 : vector<1x16xi32> to vector<16xi32>
    %get3A_231 = arith.constant 0 : i32
    %get3A_232 = arith.index_cast %get3A_231 : i32 to index
    %get3A_233 = arith.constant 48 : index
    %get3A_234 = tpu.vector_load %arg10[%get3A_232, %get3A_233] {strides = array<i32>} : memref<4x128xi32, #tpu.memory_space<vmem>>, vector<1x16xi32>,
    %get3A_235 = vector.shape_cast %get3A_234 : vector<1x16xi32> to vector<16xi32>
    %shift_right_logical3A_236 = arith.constant 1 : i32
    %shift_right_logical3A_237 = vector.broadcast %shift_right_logical3A_236 : i32 to vector<16xi32>
    %shift_right_logical3A_238 = arith.shrui %get3A_230, %shift_right_logical3A_237 : vector<16xi32>
    %swap3A_239 = arith.constant 0 : i32
    %swap3A_240 = arith.index_cast %swap3A_239 : i32 to index
    %swap3A_241 = arith.constant 48 : index
    %swap3A_242 = tpu.vector_load %arg11[%swap3A_240, %swap3A_241] {strides = array<i32>} : memref<2x128xi32, #tpu.memory_space<vmem>>, vector<1x16xi32>,
    %swap3A_243 = vector.shape_cast %swap3A_242 : vector<1x16xi32> to vector<16xi32>
    %swap3A_244 = vector.shape_cast %shift_right_logical3A_238 : vector<16xi32> to vector<1x16xi32>
    tpu.vector_store %arg11[%swap3A_240, %swap3A_241], %swap3A_244 {strides = array<i32>} : memref<2x128xi32, #tpu.memory_space<vmem>>, vector<1x16xi32>,
    %shift_right_logical3A_245 = arith.constant 1 : i32
    %shift_right_logical3A_246 = vector.broadcast %shift_right_logical3A_245 : i32 to vector<16xi32>
    %shift_right_logical3A_247 = arith.shrui %get3A_235, %shift_right_logical3A_246 : vector<16xi32>
    %swap3A_248 = arith.constant 0 : i32
    %swap3A_249 = arith.index_cast %swap3A_248 : i32 to index
    %swap3A_250 = arith.constant 48 : index
    %swap3A_251 = tpu.vector_load %arg12[%swap3A_249, %swap3A_250] {strides = array<i32>} : memref<2x128xi32, #tpu.memory_space<vmem>>, vector<1x16xi32>,
    %swap3A_252 = vector.shape_cast %swap3A_251 : vector<1x16xi32> to vector<16xi32>
    %swap3A_253 = vector.shape_cast %shift_right_logical3A_247 : vector<16xi32> to vector<1x16xi32>
    tpu.vector_store %arg12[%swap3A_249, %swap3A_250], %swap3A_253 {strides = array<i32>} : memref<2x128xi32, #tpu.memory_space<vmem>>, vector<1x16xi32>,
    %and3A_254 = arith.constant 1 : i32
    %and3A_255 = vector.broadcast %and3A_254 : i32 to vector<16xi32>
    %and3A_256 = arith.andi %get3A_230, %and3A_255 : vector<16xi32>
    %convert_element_type3A_257 = arith.sitofp %and3A_256 : vector<16xi32> to vector<16xf32>
    %swap3A_258 = arith.constant 0 : i32
    %swap3A_259 = arith.index_cast %swap3A_258 : i32 to index
    %swap3A_260 = arith.constant 48 : index
    %swap3A_261 = tpu.vector_load %arg13[%swap3A_259, %swap3A_260] {strides = array<i32>} : memref<2x128xf32, #tpu.memory_space<vmem>>, vector<1x16xf32>,
    %swap3A_262 = vector.shape_cast %swap3A_261 : vector<1x16xf32> to vector<16xf32>
    %swap3A_263 = vector.shape_cast %convert_element_type3A_257 : vector<16xf32> to vector<1x16xf32>
    tpu.vector_store %arg13[%swap3A_259, %swap3A_260], %swap3A_263 {strides = array<i32>} : memref<2x128xf32, #tpu.memory_space<vmem>>, vector<1x16xf32>,
    %and3A_264 = arith.constant 1 : i32
    %and3A_265 = vector.broadcast %and3A_264 : i32 to vector<16xi32>
    %and3A_266 = arith.andi %get3A_235, %and3A_265 : vector<16xi32>
    %convert_element_type3A_267 = arith.sitofp %and3A_266 : vector<16xi32> to vector<16xf32>
    %swap3A_268 = arith.constant 0 : i32
    %swap3A_269 = arith.index_cast %swap3A_268 : i32 to index
    %swap3A_270 = arith.constant 48 : index
    %swap3A_271 = tpu.vector_load %arg14[%swap3A_269, %swap3A_270] {strides = array<i32>} : memref<2x128xf32, #tpu.memory_space<vmem>>, vector<1x16xf32>,
    %swap3A_272 = vector.shape_cast %swap3A_271 : vector<1x16xf32> to vector<16xf32>
    %swap3A_273 = vector.shape_cast %convert_element_type3A_267 : vector<16xf32> to vector<1x16xf32>
    tpu.vector_store %arg14[%swap3A_269, %swap3A_270], %swap3A_273 {strides = array<i32>} : memref<2x128xf32, #tpu.memory_space<vmem>>, vector<1x16xf32>,
    %get3A_274 = arith.constant 0 : i32
    %get3A_275 = arith.index_cast %get3A_274 : i32 to index
    %get3A_276 = arith.constant 64 : index
    %get3A_277 = tpu.vector_load %arg9[%get3A_275, %get3A_276] {strides = array<i32>} : memref<4x128xi32, #tpu.memory_space<vmem>>, vector<1x16xi32>,
    %get3A_278 = vector.shape_cast %get3A_277 : vector<1x16xi32> to vector<16xi32>
    %get3A_279 = arith.constant 0 : i32
    %get3A_280 = arith.index_cast %get3A_279 : i32 to index
    %get3A_281 = arith.constant 64 : index
    %get3A_282 = tpu.vector_load %arg10[%get3A_280, %get3A_281] {strides = array<i32>} : memref<4x128xi32, #tpu.memory_space<vmem>>, vector<1x16xi32>,
    %get3A_283 = vector.shape_cast %get3A_282 : vector<1x16xi32> to vector<16xi32>
    %shift_right_logical3A_284 = arith.constant 1 : i32
    %shift_right_logical3A_285 = vector.broadcast %shift_right_logical3A_284 : i32 to vector<16xi32>
    %shift_right_logical3A_286 = arith.shrui %get3A_278, %shift_right_logical3A_285 : vector<16xi32>
    %swap3A_287 = arith.constant 0 : i32
    %swap3A_288 = arith.index_cast %swap3A_287 : i32 to index
    %swap3A_289 = arith.constant 64 : index
    %swap3A_290 = tpu.vector_load %arg11[%swap3A_288, %swap3A_289] {strides = array<i32>} : memref<2x128xi32, #tpu.memory_space<vmem>>, vector<1x16xi32>,
    %swap3A_291 = vector.shape_cast %swap3A_290 : vector<1x16xi32> to vector<16xi32>
    %swap3A_292 = vector.shape_cast %shift_right_logical3A_286 : vector<16xi32> to vector<1x16xi32>
    tpu.vector_store %arg11[%swap3A_288, %swap3A_289], %swap3A_292 {strides = array<i32>} : memref<2x128xi32, #tpu.memory_space<vmem>>, vector<1x16xi32>,
    %shift_right_logical3A_293 = arith.constant 1 : i32
    %shift_right_logical3A_294 = vector.broadcast %shift_right_logical3A_293 : i32 to vector<16xi32>
    %shift_right_logical3A_295 = arith.shrui %get3A_283, %shift_right_logical3A_294 : vector<16xi32>
    %swap3A_296 = arith.constant 0 : i32
    %swap3A_297 = arith.index_cast %swap3A_296 : i32 to index
    %swap3A_298 = arith.constant 64 : index
    %swap3A_299 = tpu.vector_load %arg12[%swap3A_297, %swap3A_298] {strides = array<i32>} : memref<2x128xi32, #tpu.memory_space<vmem>>, vector<1x16xi32>,
    %swap3A_300 = vector.shape_cast %swap3A_299 : vector<1x16xi32> to vector<16xi32>
    %swap3A_301 = vector.shape_cast %shift_right_logical3A_295 : vector<16xi32> to vector<1x16xi32>
    tpu.vector_store %arg12[%swap3A_297, %swap3A_298], %swap3A_301 {strides = array<i32>} : memref<2x128xi32, #tpu.memory_space<vmem>>, vector<1x16xi32>,
    %and3A_302 = arith.constant 1 : i32
    %and3A_303 = vector.broadcast %and3A_302 : i32 to vector<16xi32>
    %and3A_304 = arith.andi %get3A_278, %and3A_303 : vector<16xi32>
    %convert_element_type3A_305 = arith.sitofp %and3A_304 : vector<16xi32> to vector<16xf32>
    %swap3A_306 = arith.constant 0 : i32
    %swap3A_307 = arith.index_cast %swap3A_306 : i32 to index
    %swap3A_308 = arith.constant 64 : index
    %swap3A_309 = tpu.vector_load %arg13[%swap3A_307, %swap3A_308] {strides = array<i32>} : memref<2x128xf32, #tpu.memory_space<vmem>>, vector<1x16xf32>,
    %swap3A_310 = vector.shape_cast %swap3A_309 : vector<1x16xf32> to vector<16xf32>
    %swap3A_311 = vector.shape_cast %convert_element_type3A_305 : vector<16xf32> to vector<1x16xf32>
    tpu.vector_store %arg13[%swap3A_307, %swap3A_308], %swap3A_311 {strides = array<i32>} : memref<2x128xf32, #tpu.memory_space<vmem>>, vector<1x16xf32>,
    %and3A_312 = arith.constant 1 : i32
    %and3A_313 = vector.broadcast %and3A_312 : i32 to vector<16xi32>
    %and3A_314 = arith.andi %get3A_283, %and3A_313 : vector<16xi32>
    %convert_element_type3A_315 = arith.sitofp %and3A_314 : vector<16xi32> to vector<16xf32>
    %swap3A_316 = arith.constant 0 : i32
    %swap3A_317 = arith.index_cast %swap3A_316 : i32 to index
    %swap3A_318 = arith.constant 64 : index
    %swap3A_319 = tpu.vector_load %arg14[%swap3A_317, %swap3A_318] {strides = array<i32>} : memref<2x128xf32, #tpu.memory_space<vmem>>, vector<1x16xf32>,
    %swap3A_320 = vector.shape_cast %swap3A_319 : vector<1x16xf32> to vector<16xf32>
    %swap3A_321 = vector.shape_cast %convert_element_type3A_315 : vector<16xf32> to vector<1x16xf32>
    tpu.vector_store %arg14[%swap3A_317, %swap3A_318], %swap3A_321 {strides = array<i32>} : memref<2x128xf32, #tpu.memory_space<vmem>>, vector<1x16xf32>,
    %get3A_322 = arith.constant 0 : i32
    %get3A_323 = arith.index_cast %get3A_322 : i32 to index
    %get3A_324 = arith.constant 80 : index
    %get3A_325 = tpu.vector_load %arg9[%get3A_323, %get3A_324] {strides = array<i32>} : memref<4x128xi32, #tpu.memory_space<vmem>>, vector<1x16xi32>,
    %get3A_326 = vector.shape_cast %get3A_325 : vector<1x16xi32> to vector<16xi32>
    %get3A_327 = arith.constant 0 : i32
    %get3A_328 = arith.index_cast %get3A_327 : i32 to index
    %get3A_329 = arith.constant 80 : index
    %get3A_330 = tpu.vector_load %arg10[%get3A_328, %get3A_329] {strides = array<i32>} : memref<4x128xi32, #tpu.memory_space<vmem>>, vector<1x16xi32>,
    %get3A_331 = vector.shape_cast %get3A_330 : vector<1x16xi32> to vector<16xi32>
    %shift_right_logical3A_332 = arith.constant 1 : i32
    %shift_right_logical3A_333 = vector.broadcast %shift_right_logical3A_332 : i32 to vector<16xi32>
    %shift_right_logical3A_334 = arith.shrui %get3A_326, %shift_right_logical3A_333 : vector<16xi32>
    %swap3A_335 = arith.constant 0 : i32
    %swap3A_336 = arith.index_cast %swap3A_335 : i32 to index
    %swap3A_337 = arith.constant 80 : index
    %swap3A_338 = tpu.vector_load %arg11[%swap3A_336, %swap3A_337] {strides = array<i32>} : memref<2x128xi32, #tpu.memory_space<vmem>>, vector<1x16xi32>,
    %swap3A_339 = vector.shape_cast %swap3A_338 : vector<1x16xi32> to vector<16xi32>
    %swap3A_340 = vector.shape_cast %shift_right_logical3A_334 : vector<16xi32> to vector<1x16xi32>
    tpu.vector_store %arg11[%swap3A_336, %swap3A_337], %swap3A_340 {strides = array<i32>} : memref<2x128xi32, #tpu.memory_space<vmem>>, vector<1x16xi32>,
    %shift_right_logical3A_341 = arith.constant 1 : i32
    %shift_right_logical3A_342 = vector.broadcast %shift_right_logical3A_341 : i32 to vector<16xi32>
    %shift_right_logical3A_343 = arith.shrui %get3A_331, %shift_right_logical3A_342 : vector<16xi32>
    %swap3A_344 = arith.constant 0 : i32
    %swap3A_345 = arith.index_cast %swap3A_344 : i32 to index
    %swap3A_346 = arith.constant 80 : index
    %swap3A_347 = tpu.vector_load %arg12[%swap3A_345, %swap3A_346] {strides = array<i32>} : memref<2x128xi32, #tpu.memory_space<vmem>>, vector<1x16xi32>,
    %swap3A_348 = vector.shape_cast %swap3A_347 : vector<1x16xi32> to vector<16xi32>
    %swap3A_349 = vector.shape_cast %shift_right_logical3A_343 : vector<16xi32> to vector<1x16xi32>
    tpu.vector_store %arg12[%swap3A_345, %swap3A_346], %swap3A_349 {strides = array<i32>} : memref<2x128xi32, #tpu.memory_space<vmem>>, vector<1x16xi32>,
    %and3A_350 = arith.constant 1 : i32
    %and3A_351 = vector.broadcast %and3A_350 : i32 to vector<16xi32>
    %and3A_352 = arith.andi %get3A_326, %and3A_351 : vector<16xi32>
    %convert_element_type3A_353 = arith.sitofp %and3A_352 : vector<16xi32> to vector<16xf32>
    %swap3A_354 = arith.constant 0 : i32
    %swap3A_355 = arith.index_cast %swap3A_354 : i32 to index
    %swap3A_356 = arith.constant 80 : index
    %swap3A_357 = tpu.vector_load %arg13[%swap3A_355, %swap3A_356] {strides = array<i32>} : memref<2x128xf32, #tpu.memory_space<vmem>>, vector<1x16xf32>,
    %swap3A_358 = vector.shape_cast %swap3A_357 : vector<1x16xf32> to vector<16xf32>
    %swap3A_359 = vector.shape_cast %convert_element_type3A_353 : vector<16xf32> to vector<1x16xf32>
    tpu.vector_store %arg13[%swap3A_355, %swap3A_356], %swap3A_359 {strides = array<i32>} : memref<2x128xf32, #tpu.memory_space<vmem>>, vector<1x16xf32>,
    %and3A_360 = arith.constant 1 : i32
    %and3A_361 = vector.broadcast %and3A_360 : i32 to vector<16xi32>
    %and3A_362 = arith.andi %get3A_331, %and3A_361 : vector<16xi32>
    %convert_element_type3A_363 = arith.sitofp %and3A_362 : vector<16xi32> to vector<16xf32>
    %swap3A_364 = arith.constant 0 : i32
    %swap3A_365 = arith.index_cast %swap3A_364 : i32 to index
    %swap3A_366 = arith.constant 80 : index
    %swap3A_367 = tpu.vector_load %arg14[%swap3A_365, %swap3A_366] {strides = array<i32>} : memref<2x128xf32, #tpu.memory_space<vmem>>, vector<1x16xf32>,
    %swap3A_368 = vector.shape_cast %swap3A_367 : vector<1x16xf32> to vector<16xf32>
    %swap3A_369 = vector.shape_cast %convert_element_type3A_363 : vector<16xf32> to vector<1x16xf32>
    tpu.vector_store %arg14[%swap3A_365, %swap3A_366], %swap3A_369 {strides = array<i32>} : memref<2x128xf32, #tpu.memory_space<vmem>>, vector<1x16xf32>,
    %get3A_370 = arith.constant 0 : i32
    %get3A_371 = arith.index_cast %get3A_370 : i32 to index
    %get3A_372 = arith.constant 96 : index
    %get3A_373 = tpu.vector_load %arg9[%get3A_371, %get3A_372] {strides = array<i32>} : memref<4x128xi32, #tpu.memory_space<vmem>>, vector<1x16xi32>,
    %get3A_374 = vector.shape_cast %get3A_373 : vector<1x16xi32> to vector<16xi32>
    %get3A_375 = arith.constant 0 : i32
    %get3A_376 = arith.index_cast %get3A_375 : i32 to index
    %get3A_377 = arith.constant 96 : index
    %get3A_378 = tpu.vector_load %arg10[%get3A_376, %get3A_377] {strides = array<i32>} : memref<4x128xi32, #tpu.memory_space<vmem>>, vector<1x16xi32>,
    %get3A_379 = vector.shape_cast %get3A_378 : vector<1x16xi32> to vector<16xi32>
    %shift_right_logical3A_380 = arith.constant 1 : i32
    %shift_right_logical3A_381 = vector.broadcast %shift_right_logical3A_380 : i32 to vector<16xi32>
    %shift_right_logical3A_382 = arith.shrui %get3A_374, %shift_right_logical3A_381 : vector<16xi32>
    %swap3A_383 = arith.constant 0 : i32
    %swap3A_384 = arith.index_cast %swap3A_383 : i32 to index
    %swap3A_385 = arith.constant 96 : index
    %swap3A_386 = tpu.vector_load %arg11[%swap3A_384, %swap3A_385] {strides = array<i32>} : memref<2x128xi32, #tpu.memory_space<vmem>>, vector<1x16xi32>,
    %swap3A_387 = vector.shape_cast %swap3A_386 : vector<1x16xi32> to vector<16xi32>
    %swap3A_388 = vector.shape_cast %shift_right_logical3A_382 : vector<16xi32> to vector<1x16xi32>
    tpu.vector_store %arg11[%swap3A_384, %swap3A_385], %swap3A_388 {strides = array<i32>} : memref<2x128xi32, #tpu.memory_space<vmem>>, vector<1x16xi32>,
    %shift_right_logical3A_389 = arith.constant 1 : i32
    %shift_right_logical3A_390 = vector.broadcast %shift_right_logical3A_389 : i32 to vector<16xi32>
    %shift_right_logical3A_391 = arith.shrui %get3A_379, %shift_right_logical3A_390 : vector<16xi32>
    %swap3A_392 = arith.constant 0 : i32
    %swap3A_393 = arith.index_cast %swap3A_392 : i32 to index
    %swap3A_394 = arith.constant 96 : index
    %swap3A_395 = tpu.vector_load %arg12[%swap3A_393, %swap3A_394] {strides = array<i32>} : memref<2x128xi32, #tpu.memory_space<vmem>>, vector<1x16xi32>,
    %swap3A_396 = vector.shape_cast %swap3A_395 : vector<1x16xi32> to vector<16xi32>
    %swap3A_397 = vector.shape_cast %shift_right_logical3A_391 : vector<16xi32> to vector<1x16xi32>
    tpu.vector_store %arg12[%swap3A_393, %swap3A_394], %swap3A_397 {strides = array<i32>} : memref<2x128xi32, #tpu.memory_space<vmem>>, vector<1x16xi32>,
    %and3A_398 = arith.constant 1 : i32
    %and3A_399 = vector.broadcast %and3A_398 : i32 to vector<16xi32>
    %and3A_400 = arith.andi %get3A_374, %and3A_399 : vector<16xi32>
    %convert_element_type3A_401 = arith.sitofp %and3A_400 : vector<16xi32> to vector<16xf32>
    %swap3A_402 = arith.constant 0 : i32
    %swap3A_403 = arith.index_cast %swap3A_402 : i32 to index
    %swap3A_404 = arith.constant 96 : index
    %swap3A_405 = tpu.vector_load %arg13[%swap3A_403, %swap3A_404] {strides = array<i32>} : memref<2x128xf32, #tpu.memory_space<vmem>>, vector<1x16xf32>,
    %swap3A_406 = vector.shape_cast %swap3A_405 : vector<1x16xf32> to vector<16xf32>
    %swap3A_407 = vector.shape_cast %convert_element_type3A_401 : vector<16xf32> to vector<1x16xf32>
    tpu.vector_store %arg13[%swap3A_403, %swap3A_404], %swap3A_407 {strides = array<i32>} : memref<2x128xf32, #tpu.memory_space<vmem>>, vector<1x16xf32>,
    %and3A_408 = arith.constant 1 : i32
    %and3A_409 = vector.broadcast %and3A_408 : i32 to vector<16xi32>
    %and3A_410 = arith.andi %get3A_379, %and3A_409 : vector<16xi32>
    %convert_element_type3A_411 = arith.sitofp %and3A_410 : vector<16xi32> to vector<16xf32>
    %swap3A_412 = arith.constant 0 : i32
    %swap3A_413 = arith.index_cast %swap3A_412 : i32 to index
    %swap3A_414 = arith.constant 96 : index
    %swap3A_415 = tpu.vector_load %arg14[%swap3A_413, %swap3A_414] {strides = array<i32>} : memref<2x128xf32, #tpu.memory_space<vmem>>, vector<1x16xf32>,
    %swap3A_416 = vector.shape_cast %swap3A_415 : vector<1x16xf32> to vector<16xf32>
    %swap3A_417 = vector.shape_cast %convert_element_type3A_411 : vector<16xf32> to vector<1x16xf32>
    tpu.vector_store %arg14[%swap3A_413, %swap3A_414], %swap3A_417 {strides = array<i32>} : memref<2x128xf32, #tpu.memory_space<vmem>>, vector<1x16xf32>,
    %get3A_418 = arith.constant 0 : i32
    %get3A_419 = arith.index_cast %get3A_418 : i32 to index
    %get3A_420 = arith.constant 112 : index
    %get3A_421 = tpu.vector_load %arg9[%get3A_419, %get3A_420] {strides = array<i32>} : memref<4x128xi32, #tpu.memory_space<vmem>>, vector<1x16xi32>,
    %get3A_422 = vector.shape_cast %get3A_421 : vector<1x16xi32> to vector<16xi32>
    %get3A_423 = arith.constant 0 : i32
    %get3A_424 = arith.index_cast %get3A_423 : i32 to index
    %get3A_425 = arith.constant 112 : index
    %get3A_426 = tpu.vector_load %arg10[%get3A_424, %get3A_425] {strides = array<i32>} : memref<4x128xi32, #tpu.memory_space<vmem>>, vector<1x16xi32>,
    %get3A_427 = vector.shape_cast %get3A_426 : vector<1x16xi32> to vector<16xi32>
    %shift_right_logical3A_428 = arith.constant 1 : i32
    %shift_right_logical3A_429 = vector.broadcast %shift_right_logical3A_428 : i32 to vector<16xi32>
    %shift_right_logical3A_430 = arith.shrui %get3A_422, %shift_right_logical3A_429 : vector<16xi32>
    %swap3A_431 = arith.constant 0 : i32
    %swap3A_432 = arith.index_cast %swap3A_431 : i32 to index
    %swap3A_433 = arith.constant 112 : index
    %swap3A_434 = tpu.vector_load %arg11[%swap3A_432, %swap3A_433] {strides = array<i32>} : memref<2x128xi32, #tpu.memory_space<vmem>>, vector<1x16xi32>,
    %swap3A_435 = vector.shape_cast %swap3A_434 : vector<1x16xi32> to vector<16xi32>
    %swap3A_436 = vector.shape_cast %shift_right_logical3A_430 : vector<16xi32> to vector<1x16xi32>
    tpu.vector_store %arg11[%swap3A_432, %swap3A_433], %swap3A_436 {strides = array<i32>} : memref<2x128xi32, #tpu.memory_space<vmem>>, vector<1x16xi32>,
    %shift_right_logical3A_437 = arith.constant 1 : i32
    %shift_right_logical3A_438 = vector.broadcast %shift_right_logical3A_437 : i32 to vector<16xi32>
    %shift_right_logical3A_439 = arith.shrui %get3A_427, %shift_right_logical3A_438 : vector<16xi32>
    %swap3A_440 = arith.constant 0 : i32
    %swap3A_441 = arith.index_cast %swap3A_440 : i32 to index
    %swap3A_442 = arith.constant 112 : index
    %swap3A_443 = tpu.vector_load %arg12[%swap3A_441, %swap3A_442] {strides = array<i32>} : memref<2x128xi32, #tpu.memory_space<vmem>>, vector<1x16xi32>,
    %swap3A_444 = vector.shape_cast %swap3A_443 : vector<1x16xi32> to vector<16xi32>
    %swap3A_445 = vector.shape_cast %shift_right_logical3A_439 : vector<16xi32> to vector<1x16xi32>
    tpu.vector_store %arg12[%swap3A_441, %swap3A_442], %swap3A_445 {strides = array<i32>} : memref<2x128xi32, #tpu.memory_space<vmem>>, vector<1x16xi32>,
    %and3A_446 = arith.constant 1 : i32
    %and3A_447 = vector.broadcast %and3A_446 : i32 to vector<16xi32>
    %and3A_448 = arith.andi %get3A_422, %and3A_447 : vector<16xi32>
    %convert_element_type3A_449 = arith.sitofp %and3A_448 : vector<16xi32> to vector<16xf32>
    %swap3A_450 = arith.constant 0 : i32
    %swap3A_451 = arith.index_cast %swap3A_450 : i32 to index
    %swap3A_452 = arith.constant 112 : index
    %swap3A_453 = tpu.vector_load %arg13[%swap3A_451, %swap3A_452] {strides = array<i32>} : memref<2x128xf32, #tpu.memory_space<vmem>>, vector<1x16xf32>,
    %swap3A_454 = vector.shape_cast %swap3A_453 : vector<1x16xf32> to vector<16xf32>
    %swap3A_455 = vector.shape_cast %convert_element_type3A_449 : vector<16xf32> to vector<1x16xf32>
    tpu.vector_store %arg13[%swap3A_451, %swap3A_452], %swap3A_455 {strides = array<i32>} : memref<2x128xf32, #tpu.memory_space<vmem>>, vector<1x16xf32>,
    %and3A_456 = arith.constant 1 : i32
    %and3A_457 = vector.broadcast %and3A_456 : i32 to vector<16xi32>
    %and3A_458 = arith.andi %get3A_427, %and3A_457 : vector<16xi32>
    %convert_element_type3A_459 = arith.sitofp %and3A_458 : vector<16xi32> to vector<16xf32>
    %swap3A_460 = arith.constant 0 : i32
    %swap3A_461 = arith.index_cast %swap3A_460 : i32 to index
    %swap3A_462 = arith.constant 112 : index
    %swap3A_463 = tpu.vector_load %arg14[%swap3A_461, %swap3A_462] {strides = array<i32>} : memref<2x128xf32, #tpu.memory_space<vmem>>, vector<1x16xf32>,
    %swap3A_464 = vector.shape_cast %swap3A_463 : vector<1x16xf32> to vector<16xf32>
    %swap3A_465 = vector.shape_cast %convert_element_type3A_459 : vector<16xf32> to vector<1x16xf32>
    tpu.vector_store %arg14[%swap3A_461, %swap3A_462], %swap3A_465 {strides = array<i32>} : memref<2x128xf32, #tpu.memory_space<vmem>>, vector<1x16xf32>,
    %get3A_466 = arith.constant 1 : i32
    %get3A_467 = arith.index_cast %get3A_466 : i32 to index
    %get3A_468 = arith.constant 0 : index
    %get3A_469 = tpu.vector_load %arg9[%get3A_467, %get3A_468] {strides = array<i32>} : memref<4x128xi32, #tpu.memory_space<vmem>>, vector<1x16xi32>,
    %get3A_470 = vector.shape_cast %get3A_469 : vector<1x16xi32> to vector<16xi32>
    %get3A_471 = arith.constant 1 : i32
    %get3A_472 = arith.index_cast %get3A_471 : i32 to index
    %get3A_473 = arith.constant 0 : index
    %get3A_474 = tpu.vector_load %arg10[%get3A_472, %get3A_473] {strides = array<i32>} : memref<4x128xi32, #tpu.memory_space<vmem>>, vector<1x16xi32>,
    %get3A_475 = vector.shape_cast %get3A_474 : vector<1x16xi32> to vector<16xi32>
    %shift_right_logical3A_476 = arith.constant 1 : i32
    %shift_right_logical3A_477 = vector.broadcast %shift_right_logical3A_476 : i32 to vector<16xi32>
    %shift_right_logical3A_478 = arith.shrui %get3A_470, %shift_right_logical3A_477 : vector<16xi32>
    %swap3A_479 = arith.constant 1 : i32
    %swap3A_480 = arith.index_cast %swap3A_479 : i32 to index
    %swap3A_481 = arith.constant 0 : index
    %swap3A_482 = tpu.vector_load %arg11[%swap3A_480, %swap3A_481] {strides = array<i32>} : memref<2x128xi32, #tpu.memory_space<vmem>>, vector<1x16xi32>,
    %swap3A_483 = vector.shape_cast %swap3A_482 : vector<1x16xi32> to vector<16xi32>
    %swap3A_484 = vector.shape_cast %shift_right_logical3A_478 : vector<16xi32> to vector<1x16xi32>
    tpu.vector_store %arg11[%swap3A_480, %swap3A_481], %swap3A_484 {strides = array<i32>} : memref<2x128xi32, #tpu.memory_space<vmem>>, vector<1x16xi32>,
    %shift_right_logical3A_485 = arith.constant 1 : i32
    %shift_right_logical3A_486 = vector.broadcast %shift_right_logical3A_485 : i32 to vector<16xi32>
    %shift_right_logical3A_487 = arith.shrui %get3A_475, %shift_right_logical3A_486 : vector<16xi32>
    %swap3A_488 = arith.constant 1 : i32
    %swap3A_489 = arith.index_cast %swap3A_488 : i32 to index
    %swap3A_490 = arith.constant 0 : index
    %swap3A_491 = tpu.vector_load %arg12[%swap3A_489, %swap3A_490] {strides = array<i32>} : memref<2x128xi32, #tpu.memory_space<vmem>>, vector<1x16xi32>,
    %swap3A_492 = vector.shape_cast %swap3A_491 : vector<1x16xi32> to vector<16xi32>
    %swap3A_493 = vector.shape_cast %shift_right_logical3A_487 : vector<16xi32> to vector<1x16xi32>
    tpu.vector_store %arg12[%swap3A_489, %swap3A_490], %swap3A_493 {strides = array<i32>} : memref<2x128xi32, #tpu.memory_space<vmem>>, vector<1x16xi32>,
    %and3A_494 = arith.constant 1 : i32
    %and3A_495 = vector.broadcast %and3A_494 : i32 to vector<16xi32>
    %and3A_496 = arith.andi %get3A_470, %and3A_495 : vector<16xi32>
    %convert_element_type3A_497 = arith.sitofp %and3A_496 : vector<16xi32> to vector<16xf32>
    %swap3A_498 = arith.constant 1 : i32
    %swap3A_499 = arith.index_cast %swap3A_498 : i32 to index
    %swap3A_500 = arith.constant 0 : index
    %swap3A_501 = tpu.vector_load %arg13[%swap3A_499, %swap3A_500] {strides = array<i32>} : memref<2x128xf32, #tpu.memory_space<vmem>>, vector<1x16xf32>,
    %swap3A_502 = vector.shape_cast %swap3A_501 : vector<1x16xf32> to vector<16xf32>
    %swap3A_503 = vector.shape_cast %convert_element_type3A_497 : vector<16xf32> to vector<1x16xf32>
    tpu.vector_store %arg13[%swap3A_499, %swap3A_500], %swap3A_503 {strides = array<i32>} : memref<2x128xf32, #tpu.memory_space<vmem>>, vector<1x16xf32>,
    %and3A_504 = arith.constant 1 : i32
    %and3A_505 = vector.broadcast %and3A_504 : i32 to vector<16xi32>
    %and3A_506 = arith.andi %get3A_475, %and3A_505 : vector<16xi32>
    %convert_element_type3A_507 = arith.sitofp %and3A_506 : vector<16xi32> to vector<16xf32>
    %swap3A_508 = arith.constant 1 : i32
    %swap3A_509 = arith.index_cast %swap3A_508 : i32 to index
    %swap3A_510 = arith.constant 0 : index
    %swap3A_511 = tpu.vector_load %arg14[%swap3A_509, %swap3A_510] {strides = array<i32>} : memref<2x128xf32, #tpu.memory_space<vmem>>, vector<1x16xf32>,
    %swap3A_512 = vector.shape_cast %swap3A_511 : vector<1x16xf32> to vector<16xf32>
    %swap3A_513 = vector.shape_cast %convert_element_type3A_507 : vector<16xf32> to vector<1x16xf32>
    tpu.vector_store %arg14[%swap3A_509, %swap3A_510], %swap3A_513 {strides = array<i32>} : memref<2x128xf32, #tpu.memory_space<vmem>>, vector<1x16xf32>,
    %get3A_514 = arith.constant 1 : i32
    %get3A_515 = arith.index_cast %get3A_514 : i32 to index
    %get3A_516 = arith.constant 16 : index
    %get3A_517 = tpu.vector_load %arg9[%get3A_515, %get3A_516] {strides = array<i32>} : memref<4x128xi32, #tpu.memory_space<vmem>>, vector<1x16xi32>,
    %get3A_518 = vector.shape_cast %get3A_517 : vector<1x16xi32> to vector<16xi32>
    %get3A_519 = arith.constant 1 : i32
    %get3A_520 = arith.index_cast %get3A_519 : i32 to index
    %get3A_521 = arith.constant 16 : index
    %get3A_522 = tpu.vector_load %arg10[%get3A_520, %get3A_521] {strides = array<i32>} : memref<4x128xi32, #tpu.memory_space<vmem>>, vector<1x16xi32>,
    %get3A_523 = vector.shape_cast %get3A_522 : vector<1x16xi32> to vector<16xi32>
    %shift_right_logical3A_524 = arith.constant 1 : i32
    %shift_right_logical3A_525 = vector.broadcast %shift_right_logical3A_524 : i32 to vector<16xi32>
    %shift_right_logical3A_526 = arith.shrui %get3A_518, %shift_right_logical3A_525 : vector<16xi32>
    %swap3A_527 = arith.constant 1 : i32
    %swap3A_528 = arith.index_cast %swap3A_527 : i32 to index
    %swap3A_529 = arith.constant 16 : index
    %swap3A_530 = tpu.vector_load %arg11[%swap3A_528, %swap3A_529] {strides = array<i32>} : memref<2x128xi32, #tpu.memory_space<vmem>>, vector<1x16xi32>,
    %swap3A_531 = vector.shape_cast %swap3A_530 : vector<1x16xi32> to vector<16xi32>
    %swap3A_532 = vector.shape_cast %shift_right_logical3A_526 : vector<16xi32> to vector<1x16xi32>
    tpu.vector_store %arg11[%swap3A_528, %swap3A_529], %swap3A_532 {strides = array<i32>} : memref<2x128xi32, #tpu.memory_space<vmem>>, vector<1x16xi32>,
    %shift_right_logical3A_533 = arith.constant 1 : i32
    %shift_right_logical3A_534 = vector.broadcast %shift_right_logical3A_533 : i32 to vector<16xi32>
    %shift_right_logical3A_535 = arith.shrui %get3A_523, %shift_right_logical3A_534 : vector<16xi32>
    %swap3A_536 = arith.constant 1 : i32
    %swap3A_537 = arith.index_cast %swap3A_536 : i32 to index
    %swap3A_538 = arith.constant 16 : index
    %swap3A_539 = tpu.vector_load %arg12[%swap3A_537, %swap3A_538] {strides = array<i32>} : memref<2x128xi32, #tpu.memory_space<vmem>>, vector<1x16xi32>,
    %swap3A_540 = vector.shape_cast %swap3A_539 : vector<1x16xi32> to vector<16xi32>
    %swap3A_541 = vector.shape_cast %shift_right_logical3A_535 : vector<16xi32> to vector<1x16xi32>
    tpu.vector_store %arg12[%swap3A_537, %swap3A_538], %swap3A_541 {strides = array<i32>} : memref<2x128xi32, #tpu.memory_space<vmem>>, vector<1x16xi32>,
    %and3A_542 = arith.constant 1 : i32
    %and3A_543 = vector.broadcast %and3A_542 : i32 to vector<16xi32>
    %and3A_544 = arith.andi %get3A_518, %and3A_543 : vector<16xi32>
    %convert_element_type3A_545 = arith.sitofp %and3A_544 : vector<16xi32> to vector<16xf32>
    %swap3A_546 = arith.constant 1 : i32
    %swap3A_547 = arith.index_cast %swap3A_546 : i32 to index
    %swap3A_548 = arith.constant 16 : index
    %swap3A_549 = tpu.vector_load %arg13[%swap3A_547, %swap3A_548] {strides = array<i32>} : memref<2x128xf32, #tpu.memory_space<vmem>>, vector<1x16xf32>,
    %swap3A_550 = vector.shape_cast %swap3A_549 : vector<1x16xf32> to vector<16xf32>
    %swap3A_551 = vector.shape_cast %convert_element_type3A_545 : vector<16xf32> to vector<1x16xf32>
    tpu.vector_store %arg13[%swap3A_547, %swap3A_548], %swap3A_551 {strides = array<i32>} : memref<2x128xf32, #tpu.memory_space<vmem>>, vector<1x16xf32>,
    %and3A_552 = arith.constant 1 : i32
    %and3A_553 = vector.broadcast %and3A_552 : i32 to vector<16xi32>
    %and3A_554 = arith.andi %get3A_523, %and3A_553 : vector<16xi32>
    %convert_element_type3A_555 = arith.sitofp %and3A_554 : vector<16xi32> to vector<16xf32>
    %swap3A_556 = arith.constant 1 : i32
    %swap3A_557 = arith.index_cast %swap3A_556 : i32 to index
    %swap3A_558 = arith.constant 16 : index
    %swap3A_559 = tpu.vector_load %arg14[%swap3A_557, %swap3A_558] {strides = array<i32>} : memref<2x128xf32, #tpu.memory_space<vmem>>, vector<1x16xf32>,
    %swap3A_560 = vector.shape_cast %swap3A_559 : vector<1x16xf32> to vector<16xf32>
    %swap3A_561 = vector.shape_cast %convert_element_type3A_555 : vector<16xf32> to vector<1x16xf32>
    tpu.vector_store %arg14[%swap3A_557, %swap3A_558], %swap3A_561 {strides = array<i32>} : memref<2x128xf32, #tpu.memory_space<vmem>>, vector<1x16xf32>,
    %get3A_562 = arith.constant 1 : i32
    %get3A_563 = arith.index_cast %get3A_562 : i32 to index
    %get3A_564 = arith.constant 32 : index
    %get3A_565 = tpu.vector_load %arg9[%get3A_563, %get3A_564] {strides = array<i32>} : memref<4x128xi32, #tpu.memory_space<vmem>>, vector<1x16xi32>,
    %get3A_566 = vector.shape_cast %get3A_565 : vector<1x16xi32> to vector<16xi32>
    %get3A_567 = arith.constant 1 : i32
    %get3A_568 = arith.index_cast %get3A_567 : i32 to index
    %get3A_569 = arith.constant 32 : index
    %get3A_570 = tpu.vector_load %arg10[%get3A_568, %get3A_569] {strides = array<i32>} : memref<4x128xi32, #tpu.memory_space<vmem>>, vector<1x16xi32>,
    %get3A_571 = vector.shape_cast %get3A_570 : vector<1x16xi32> to vector<16xi32>
    %shift_right_logical3A_572 = arith.constant 1 : i32
    %shift_right_logical3A_573 = vector.broadcast %shift_right_logical3A_572 : i32 to vector<16xi32>
    %shift_right_logical3A_574 = arith.shrui %get3A_566, %shift_right_logical3A_573 : vector<16xi32>
    %swap3A_575 = arith.constant 1 : i32
    %swap3A_576 = arith.index_cast %swap3A_575 : i32 to index
    %swap3A_577 = arith.constant 32 : index
    %swap3A_578 = tpu.vector_load %arg11[%swap3A_576, %swap3A_577] {strides = array<i32>} : memref<2x128xi32, #tpu.memory_space<vmem>>, vector<1x16xi32>,
    %swap3A_579 = vector.shape_cast %swap3A_578 : vector<1x16xi32> to vector<16xi32>
    %swap3A_580 = vector.shape_cast %shift_right_logical3A_574 : vector<16xi32> to vector<1x16xi32>
    tpu.vector_store %arg11[%swap3A_576, %swap3A_577], %swap3A_580 {strides = array<i32>} : memref<2x128xi32, #tpu.memory_space<vmem>>, vector<1x16xi32>,
    %shift_right_logical3A_581 = arith.constant 1 : i32
    %shift_right_logical3A_582 = vector.broadcast %shift_right_logical3A_581 : i32 to vector<16xi32>
    %shift_right_logical3A_583 = arith.shrui %get3A_571, %shift_right_logical3A_582 : vector<16xi32>
    %swap3A_584 = arith.constant 1 : i32
    %swap3A_585 = arith.index_cast %swap3A_584 : i32 to index
    %swap3A_586 = arith.constant 32 : index
    %swap3A_587 = tpu.vector_load %arg12[%swap3A_585, %swap3A_586] {strides = array<i32>} : memref<2x128xi32, #tpu.memory_space<vmem>>, vector<1x16xi32>,
    %swap3A_588 = vector.shape_cast %swap3A_587 : vector<1x16xi32> to vector<16xi32>
    %swap3A_589 = vector.shape_cast %shift_right_logical3A_583 : vector<16xi32> to vector<1x16xi32>
    tpu.vector_store %arg12[%swap3A_585, %swap3A_586], %swap3A_589 {strides = array<i32>} : memref<2x128xi32, #tpu.memory_space<vmem>>, vector<1x16xi32>,
    %and3A_590 = arith.constant 1 : i32
    %and3A_591 = vector.broadcast %and3A_590 : i32 to vector<16xi32>
    %and3A_592 = arith.andi %get3A_566, %and3A_591 : vector<16xi32>
    %convert_element_type3A_593 = arith.sitofp %and3A_592 : vector<16xi32> to vector<16xf32>
    %swap3A_594 = arith.constant 1 : i32
    %swap3A_595 = arith.index_cast %swap3A_594 : i32 to index
    %swap3A_596 = arith.constant 32 : index
    %swap3A_597 = tpu.vector_load %arg13[%swap3A_595, %swap3A_596] {strides = array<i32>} : memref<2x128xf32, #tpu.memory_space<vmem>>, vector<1x16xf32>,
    %swap3A_598 = vector.shape_cast %swap3A_597 : vector<1x16xf32> to vector<16xf32>
    %swap3A_599 = vector.shape_cast %convert_element_type3A_593 : vector<16xf32> to vector<1x16xf32>
    tpu.vector_store %arg13[%swap3A_595, %swap3A_596], %swap3A_599 {strides = array<i32>} : memref<2x128xf32, #tpu.memory_space<vmem>>, vector<1x16xf32>,
    %and3A_600 = arith.constant 1 : i32
    %and3A_601 = vector.broadcast %and3A_600 : i32 to vector<16xi32>
    %and3A_602 = arith.andi %get3A_571, %and3A_601 : vector<16xi32>
    %convert_element_type3A_603 = arith.sitofp %and3A_602 : vector<16xi32> to vector<16xf32>
    %swap3A_604 = arith.constant 1 : i32
    %swap3A_605 = arith.index_cast %swap3A_604 : i32 to index
    %swap3A_606 = arith.constant 32 : index
    %swap3A_607 = tpu.vector_load %arg14[%swap3A_605, %swap3A_606] {strides = array<i32>} : memref<2x128xf32, #tpu.memory_space<vmem>>, vector<1x16xf32>,
    %swap3A_608 = vector.shape_cast %swap3A_607 : vector<1x16xf32> to vector<16xf32>
    %swap3A_609 = vector.shape_cast %convert_element_type3A_603 : vector<16xf32> to vector<1x16xf32>
    tpu.vector_store %arg14[%swap3A_605, %swap3A_606], %swap3A_609 {strides = array<i32>} : memref<2x128xf32, #tpu.memory_space<vmem>>, vector<1x16xf32>,
    %get3A_610 = arith.constant 1 : i32
    %get3A_611 = arith.index_cast %get3A_610 : i32 to index
    %get3A_612 = arith.constant 48 : index
    %get3A_613 = tpu.vector_load %arg9[%get3A_611, %get3A_612] {strides = array<i32>} : memref<4x128xi32, #tpu.memory_space<vmem>>, vector<1x16xi32>,
    %get3A_614 = vector.shape_cast %get3A_613 : vector<1x16xi32> to vector<16xi32>
    %get3A_615 = arith.constant 1 : i32
    %get3A_616 = arith.index_cast %get3A_615 : i32 to index
    %get3A_617 = arith.constant 48 : index
    %get3A_618 = tpu.vector_load %arg10[%get3A_616, %get3A_617] {strides = array<i32>} : memref<4x128xi32, #tpu.memory_space<vmem>>, vector<1x16xi32>,
    %get3A_619 = vector.shape_cast %get3A_618 : vector<1x16xi32> to vector<16xi32>
    %shift_right_logical3A_620 = arith.constant 1 : i32
    %shift_right_logical3A_621 = vector.broadcast %shift_right_logical3A_620 : i32 to vector<16xi32>
    %shift_right_logical3A_622 = arith.shrui %get3A_614, %shift_right_logical3A_621 : vector<16xi32>
    %swap3A_623 = arith.constant 1 : i32
    %swap3A_624 = arith.index_cast %swap3A_623 : i32 to index
    %swap3A_625 = arith.constant 48 : index
    %swap3A_626 = tpu.vector_load %arg11[%swap3A_624, %swap3A_625] {strides = array<i32>} : memref<2x128xi32, #tpu.memory_space<vmem>>, vector<1x16xi32>,
    %swap3A_627 = vector.shape_cast %swap3A_626 : vector<1x16xi32> to vector<16xi32>
    %swap3A_628 = vector.shape_cast %shift_right_logical3A_622 : vector<16xi32> to vector<1x16xi32>
    tpu.vector_store %arg11[%swap3A_624, %swap3A_625], %swap3A_628 {strides = array<i32>} : memref<2x128xi32, #tpu.memory_space<vmem>>, vector<1x16xi32>,
    %shift_right_logical3A_629 = arith.constant 1 : i32
    %shift_right_logical3A_630 = vector.broadcast %shift_right_logical3A_629 : i32 to vector<16xi32>
    %shift_right_logical3A_631 = arith.shrui %get3A_619, %shift_right_logical3A_630 : vector<16xi32>
    %swap3A_632 = arith.constant 1 : i32
    %swap3A_633 = arith.index_cast %swap3A_632 : i32 to index
    %swap3A_634 = arith.constant 48 : index
    %swap3A_635 = tpu.vector_load %arg12[%swap3A_633, %swap3A_634] {strides = array<i32>} : memref<2x128xi32, #tpu.memory_space<vmem>>, vector<1x16xi32>,
    %swap3A_636 = vector.shape_cast %swap3A_635 : vector<1x16xi32> to vector<16xi32>
    %swap3A_637 = vector.shape_cast %shift_right_logical3A_631 : vector<16xi32> to vector<1x16xi32>
    tpu.vector_store %arg12[%swap3A_633, %swap3A_634], %swap3A_637 {strides = array<i32>} : memref<2x128xi32, #tpu.memory_space<vmem>>, vector<1x16xi32>,
    %and3A_638 = arith.constant 1 : i32
    %and3A_639 = vector.broadcast %and3A_638 : i32 to vector<16xi32>
    %and3A_640 = arith.andi %get3A_614, %and3A_639 : vector<16xi32>
    %convert_element_type3A_641 = arith.sitofp %and3A_640 : vector<16xi32> to vector<16xf32>
    %swap3A_642 = arith.constant 1 : i32
    %swap3A_643 = arith.index_cast %swap3A_642 : i32 to index
    %swap3A_644 = arith.constant 48 : index
    %swap3A_645 = tpu.vector_load %arg13[%swap3A_643, %swap3A_644] {strides = array<i32>} : memref<2x128xf32, #tpu.memory_space<vmem>>, vector<1x16xf32>,
    %swap3A_646 = vector.shape_cast %swap3A_645 : vector<1x16xf32> to vector<16xf32>
    %swap3A_647 = vector.shape_cast %convert_element_type3A_641 : vector<16xf32> to vector<1x16xf32>
    tpu.vector_store %arg13[%swap3A_643, %swap3A_644], %swap3A_647 {strides = array<i32>} : memref<2x128xf32, #tpu.memory_space<vmem>>, vector<1x16xf32>,
    %and3A_648 = arith.constant 1 : i32
    %and3A_649 = vector.broadcast %and3A_648 : i32 to vector<16xi32>
    %and3A_650 = arith.andi %get3A_619, %and3A_649 : vector<16xi32>
    %convert_element_type3A_651 = arith.sitofp %and3A_650 : vector<16xi32> to vector<16xf32>
    %swap3A_652 = arith.constant 1 : i32
    %swap3A_653 = arith.index_cast %swap3A_652 : i32 to index
    %swap3A_654 = arith.constant 48 : index
    %swap3A_655 = tpu.vector_load %arg14[%swap3A_653, %swap3A_654] {strides = array<i32>} : memref<2x128xf32, #tpu.memory_space<vmem>>, vector<1x16xf32>,
    %swap3A_656 = vector.shape_cast %swap3A_655 : vector<1x16xf32> to vector<16xf32>
    %swap3A_657 = vector.shape_cast %convert_element_type3A_651 : vector<16xf32> to vector<1x16xf32>
    tpu.vector_store %arg14[%swap3A_653, %swap3A_654], %swap3A_657 {strides = array<i32>} : memref<2x128xf32, #tpu.memory_space<vmem>>, vector<1x16xf32>,
    %get3A_658 = arith.constant 1 : i32
    %get3A_659 = arith.index_cast %get3A_658 : i32 to index
    %get3A_660 = arith.constant 64 : index
    %get3A_661 = tpu.vector_load %arg9[%get3A_659, %get3A_660] {strides = array<i32>} : memref<4x128xi32, #tpu.memory_space<vmem>>, vector<1x16xi32>,
    %get3A_662 = vector.shape_cast %get3A_661 : vector<1x16xi32> to vector<16xi32>
    %get3A_663 = arith.constant 1 : i32
    %get3A_664 = arith.index_cast %get3A_663 : i32 to index
    %get3A_665 = arith.constant 64 : index
    %get3A_666 = tpu.vector_load %arg10[%get3A_664, %get3A_665] {strides = array<i32>} : memref<4x128xi32, #tpu.memory_space<vmem>>, vector<1x16xi32>,
    %get3A_667 = vector.shape_cast %get3A_666 : vector<1x16xi32> to vector<16xi32>
    %shift_right_logical3A_668 = arith.constant 1 : i32
    %shift_right_logical3A_669 = vector.broadcast %shift_right_logical3A_668 : i32 to vector<16xi32>
    %shift_right_logical3A_670 = arith.shrui %get3A_662, %shift_right_logical3A_669 : vector<16xi32>
    %swap3A_671 = arith.constant 1 : i32
    %swap3A_672 = arith.index_cast %swap3A_671 : i32 to index
    %swap3A_673 = arith.constant 64 : index
    %swap3A_674 = tpu.vector_load %arg11[%swap3A_672, %swap3A_673] {strides = array<i32>} : memref<2x128xi32, #tpu.memory_space<vmem>>, vector<1x16xi32>,
    %swap3A_675 = vector.shape_cast %swap3A_674 : vector<1x16xi32> to vector<16xi32>
    %swap3A_676 = vector.shape_cast %shift_right_logical3A_670 : vector<16xi32> to vector<1x16xi32>
    tpu.vector_store %arg11[%swap3A_672, %swap3A_673], %swap3A_676 {strides = array<i32>} : memref<2x128xi32, #tpu.memory_space<vmem>>, vector<1x16xi32>,
    %shift_right_logical3A_677 = arith.constant 1 : i32
    %shift_right_logical3A_678 = vector.broadcast %shift_right_logical3A_677 : i32 to vector<16xi32>
    %shift_right_logical3A_679 = arith.shrui %get3A_667, %shift_right_logical3A_678 : vector<16xi32>
    %swap3A_680 = arith.constant 1 : i32
    %swap3A_681 = arith.index_cast %swap3A_680 : i32 to index
    %swap3A_682 = arith.constant 64 : index
    %swap3A_683 = tpu.vector_load %arg12[%swap3A_681, %swap3A_682] {strides = array<i32>} : memref<2x128xi32, #tpu.memory_space<vmem>>, vector<1x16xi32>,
    %swap3A_684 = vector.shape_cast %swap3A_683 : vector<1x16xi32> to vector<16xi32>
    %swap3A_685 = vector.shape_cast %shift_right_logical3A_679 : vector<16xi32> to vector<1x16xi32>
    tpu.vector_store %arg12[%swap3A_681, %swap3A_682], %swap3A_685 {strides = array<i32>} : memref<2x128xi32, #tpu.memory_space<vmem>>, vector<1x16xi32>,
    %and3A_686 = arith.constant 1 : i32
    %and3A_687 = vector.broadcast %and3A_686 : i32 to vector<16xi32>
    %and3A_688 = arith.andi %get3A_662, %and3A_687 : vector<16xi32>
    %convert_element_type3A_689 = arith.sitofp %and3A_688 : vector<16xi32> to vector<16xf32>
    %swap3A_690 = arith.constant 1 : i32
    %swap3A_691 = arith.index_cast %swap3A_690 : i32 to index
    %swap3A_692 = arith.constant 64 : index
    %swap3A_693 = tpu.vector_load %arg13[%swap3A_691, %swap3A_692] {strides = array<i32>} : memref<2x128xf32, #tpu.memory_space<vmem>>, vector<1x16xf32>,
    %swap3A_694 = vector.shape_cast %swap3A_693 : vector<1x16xf32> to vector<16xf32>
    %swap3A_695 = vector.shape_cast %convert_element_type3A_689 : vector<16xf32> to vector<1x16xf32>
    tpu.vector_store %arg13[%swap3A_691, %swap3A_692], %swap3A_695 {strides = array<i32>} : memref<2x128xf32, #tpu.memory_space<vmem>>, vector<1x16xf32>,
    %and3A_696 = arith.constant 1 : i32
    %and3A_697 = vector.broadcast %and3A_696 : i32 to vector<16xi32>
    %and3A_698 = arith.andi %get3A_667, %and3A_697 : vector<16xi32>
    %convert_element_type3A_699 = arith.sitofp %and3A_698 : vector<16xi32> to vector<16xf32>
    %swap3A_700 = arith.constant 1 : i32
    %swap3A_701 = arith.index_cast %swap3A_700 : i32 to index
    %swap3A_702 = arith.constant 64 : index
    %swap3A_703 = tpu.vector_load %arg14[%swap3A_701, %swap3A_702] {strides = array<i32>} : memref<2x128xf32, #tpu.memory_space<vmem>>, vector<1x16xf32>,
    %swap3A_704 = vector.shape_cast %swap3A_703 : vector<1x16xf32> to vector<16xf32>
    %swap3A_705 = vector.shape_cast %convert_element_type3A_699 : vector<16xf32> to vector<1x16xf32>
    tpu.vector_store %arg14[%swap3A_701, %swap3A_702], %swap3A_705 {strides = array<i32>} : memref<2x128xf32, #tpu.memory_space<vmem>>, vector<1x16xf32>,
    %get3A_706 = arith.constant 1 : i32
    %get3A_707 = arith.index_cast %get3A_706 : i32 to index
    %get3A_708 = arith.constant 80 : index
    %get3A_709 = tpu.vector_load %arg9[%get3A_707, %get3A_708] {strides = array<i32>} : memref<4x128xi32, #tpu.memory_space<vmem>>, vector<1x16xi32>,
    %get3A_710 = vector.shape_cast %get3A_709 : vector<1x16xi32> to vector<16xi32>
    %get3A_711 = arith.constant 1 : i32
    %get3A_712 = arith.index_cast %get3A_711 : i32 to index
    %get3A_713 = arith.constant 80 : index
    %get3A_714 = tpu.vector_load %arg10[%get3A_712, %get3A_713] {strides = array<i32>} : memref<4x128xi32, #tpu.memory_space<vmem>>, vector<1x16xi32>,
    %get3A_715 = vector.shape_cast %get3A_714 : vector<1x16xi32> to vector<16xi32>
    %shift_right_logical3A_716 = arith.constant 1 : i32
    %shift_right_logical3A_717 = vector.broadcast %shift_right_logical3A_716 : i32 to vector<16xi32>
    %shift_right_logical3A_718 = arith.shrui %get3A_710, %shift_right_logical3A_717 : vector<16xi32>
    %swap3A_719 = arith.constant 1 : i32
    %swap3A_720 = arith.index_cast %swap3A_719 : i32 to index
    %swap3A_721 = arith.constant 80 : index
    %swap3A_722 = tpu.vector_load %arg11[%swap3A_720, %swap3A_721] {strides = array<i32>} : memref<2x128xi32, #tpu.memory_space<vmem>>, vector<1x16xi32>,
    %swap3A_723 = vector.shape_cast %swap3A_722 : vector<1x16xi32> to vector<16xi32>
    %swap3A_724 = vector.shape_cast %shift_right_logical3A_718 : vector<16xi32> to vector<1x16xi32>
    tpu.vector_store %arg11[%swap3A_720, %swap3A_721], %swap3A_724 {strides = array<i32>} : memref<2x128xi32, #tpu.memory_space<vmem>>, vector<1x16xi32>,
    %shift_right_logical3A_725 = arith.constant 1 : i32
    %shift_right_logical3A_726 = vector.broadcast %shift_right_logical3A_725 : i32 to vector<16xi32>
    %shift_right_logical3A_727 = arith.shrui %get3A_715, %shift_right_logical3A_726 : vector<16xi32>
    %swap3A_728 = arith.constant 1 : i32
    %swap3A_729 = arith.index_cast %swap3A_728 : i32 to index
    %swap3A_730 = arith.constant 80 : index
    %swap3A_731 = tpu.vector_load %arg12[%swap3A_729, %swap3A_730] {strides = array<i32>} : memref<2x128xi32, #tpu.memory_space<vmem>>, vector<1x16xi32>,
    %swap3A_732 = vector.shape_cast %swap3A_731 : vector<1x16xi32> to vector<16xi32>
    %swap3A_733 = vector.shape_cast %shift_right_logical3A_727 : vector<16xi32> to vector<1x16xi32>
    tpu.vector_store %arg12[%swap3A_729, %swap3A_730], %swap3A_733 {strides = array<i32>} : memref<2x128xi32, #tpu.memory_space<vmem>>, vector<1x16xi32>,
    %and3A_734 = arith.constant 1 : i32
    %and3A_735 = vector.broadcast %and3A_734 : i32 to vector<16xi32>
    %and3A_736 = arith.andi %get3A_710, %and3A_735 : vector<16xi32>
    %convert_element_type3A_737 = arith.sitofp %and3A_736 : vector<16xi32> to vector<16xf32>
    %swap3A_738 = arith.constant 1 : i32
    %swap3A_739 = arith.index_cast %swap3A_738 : i32 to index
    %swap3A_740 = arith.constant 80 : index
    %swap3A_741 = tpu.vector_load %arg13[%swap3A_739, %swap3A_740] {strides = array<i32>} : memref<2x128xf32, #tpu.memory_space<vmem>>, vector<1x16xf32>,
    %swap3A_742 = vector.shape_cast %swap3A_741 : vector<1x16xf32> to vector<16xf32>
    %swap3A_743 = vector.shape_cast %convert_element_type3A_737 : vector<16xf32> to vector<1x16xf32>
    tpu.vector_store %arg13[%swap3A_739, %swap3A_740], %swap3A_743 {strides = array<i32>} : memref<2x128xf32, #tpu.memory_space<vmem>>, vector<1x16xf32>,
    %and3A_744 = arith.constant 1 : i32
    %and3A_745 = vector.broadcast %and3A_744 : i32 to vector<16xi32>
    %and3A_746 = arith.andi %get3A_715, %and3A_745 : vector<16xi32>
    %convert_element_type3A_747 = arith.sitofp %and3A_746 : vector<16xi32> to vector<16xf32>
    %swap3A_748 = arith.constant 1 : i32
    %swap3A_749 = arith.index_cast %swap3A_748 : i32 to index
    %swap3A_750 = arith.constant 80 : index
    %swap3A_751 = tpu.vector_load %arg14[%swap3A_749, %swap3A_750] {strides = array<i32>} : memref<2x128xf32, #tpu.memory_space<vmem>>, vector<1x16xf32>,
    %swap3A_752 = vector.shape_cast %swap3A_751 : vector<1x16xf32> to vector<16xf32>
    %swap3A_753 = vector.shape_cast %convert_element_type3A_747 : vector<16xf32> to vector<1x16xf32>
    tpu.vector_store %arg14[%swap3A_749, %swap3A_750], %swap3A_753 {strides = array<i32>} : memref<2x128xf32, #tpu.memory_space<vmem>>, vector<1x16xf32>,
    %get3A_754 = arith.constant 1 : i32
    %get3A_755 = arith.index_cast %get3A_754 : i32 to index
    %get3A_756 = arith.constant 96 : index
    %get3A_757 = tpu.vector_load %arg9[%get3A_755, %get3A_756] {strides = array<i32>} : memref<4x128xi32, #tpu.memory_space<vmem>>, vector<1x16xi32>,
    %get3A_758 = vector.shape_cast %get3A_757 : vector<1x16xi32> to vector<16xi32>
    %get3A_759 = arith.constant 1 : i32
    %get3A_760 = arith.index_cast %get3A_759 : i32 to index
    %get3A_761 = arith.constant 96 : index
    %get3A_762 = tpu.vector_load %arg10[%get3A_760, %get3A_761] {strides = array<i32>} : memref<4x128xi32, #tpu.memory_space<vmem>>, vector<1x16xi32>,
    %get3A_763 = vector.shape_cast %get3A_762 : vector<1x16xi32> to vector<16xi32>
    %shift_right_logical3A_764 = arith.constant 1 : i32
    %shift_right_logical3A_765 = vector.broadcast %shift_right_logical3A_764 : i32 to vector<16xi32>
    %shift_right_logical3A_766 = arith.shrui %get3A_758, %shift_right_logical3A_765 : vector<16xi32>
    %swap3A_767 = arith.constant 1 : i32
    %swap3A_768 = arith.index_cast %swap3A_767 : i32 to index
    %swap3A_769 = arith.constant 96 : index
    %swap3A_770 = tpu.vector_load %arg11[%swap3A_768, %swap3A_769] {strides = array<i32>} : memref<2x128xi32, #tpu.memory_space<vmem>>, vector<1x16xi32>,
    %swap3A_771 = vector.shape_cast %swap3A_770 : vector<1x16xi32> to vector<16xi32>
    %swap3A_772 = vector.shape_cast %shift_right_logical3A_766 : vector<16xi32> to vector<1x16xi32>
    tpu.vector_store %arg11[%swap3A_768, %swap3A_769], %swap3A_772 {strides = array<i32>} : memref<2x128xi32, #tpu.memory_space<vmem>>, vector<1x16xi32>,
    %shift_right_logical3A_773 = arith.constant 1 : i32
    %shift_right_logical3A_774 = vector.broadcast %shift_right_logical3A_773 : i32 to vector<16xi32>
    %shift_right_logical3A_775 = arith.shrui %get3A_763, %shift_right_logical3A_774 : vector<16xi32>
    %swap3A_776 = arith.constant 1 : i32
    %swap3A_777 = arith.index_cast %swap3A_776 : i32 to index
    %swap3A_778 = arith.constant 96 : index
    %swap3A_779 = tpu.vector_load %arg12[%swap3A_777, %swap3A_778] {strides = array<i32>} : memref<2x128xi32, #tpu.memory_space<vmem>>, vector<1x16xi32>,
    %swap3A_780 = vector.shape_cast %swap3A_779 : vector<1x16xi32> to vector<16xi32>
    %swap3A_781 = vector.shape_cast %shift_right_logical3A_775 : vector<16xi32> to vector<1x16xi32>
    tpu.vector_store %arg12[%swap3A_777, %swap3A_778], %swap3A_781 {strides = array<i32>} : memref<2x128xi32, #tpu.memory_space<vmem>>, vector<1x16xi32>,
    %and3A_782 = arith.constant 1 : i32
    %and3A_783 = vector.broadcast %and3A_782 : i32 to vector<16xi32>
    %and3A_784 = arith.andi %get3A_758, %and3A_783 : vector<16xi32>
    %convert_element_type3A_785 = arith.sitofp %and3A_784 : vector<16xi32> to vector<16xf32>
    %swap3A_786 = arith.constant 1 : i32
    %swap3A_787 = arith.index_cast %swap3A_786 : i32 to index
    %swap3A_788 = arith.constant 96 : index
    %swap3A_789 = tpu.vector_load %arg13[%swap3A_787, %swap3A_788] {strides = array<i32>} : memref<2x128xf32, #tpu.memory_space<vmem>>, vector<1x16xf32>,
    %swap3A_790 = vector.shape_cast %swap3A_789 : vector<1x16xf32> to vector<16xf32>
    %swap3A_791 = vector.shape_cast %convert_element_type3A_785 : vector<16xf32> to vector<1x16xf32>
    tpu.vector_store %arg13[%swap3A_787, %swap3A_788], %swap3A_791 {strides = array<i32>} : memref<2x128xf32, #tpu.memory_space<vmem>>, vector<1x16xf32>,
    %and3A_792 = arith.constant 1 : i32
    %and3A_793 = vector.broadcast %and3A_792 : i32 to vector<16xi32>
    %and3A_794 = arith.andi %get3A_763, %and3A_793 : vector<16xi32>
    %convert_element_type3A_795 = arith.sitofp %and3A_794 : vector<16xi32> to vector<16xf32>
    %swap3A_796 = arith.constant 1 : i32
    %swap3A_797 = arith.index_cast %swap3A_796 : i32 to index
    %swap3A_798 = arith.constant 96 : index
    %swap3A_799 = tpu.vector_load %arg14[%swap3A_797, %swap3A_798] {strides = array<i32>} : memref<2x128xf32, #tpu.memory_space<vmem>>, vector<1x16xf32>,
    %swap3A_800 = vector.shape_cast %swap3A_799 : vector<1x16xf32> to vector<16xf32>
    %swap3A_801 = vector.shape_cast %convert_element_type3A_795 : vector<16xf32> to vector<1x16xf32>
    tpu.vector_store %arg14[%swap3A_797, %swap3A_798], %swap3A_801 {strides = array<i32>} : memref<2x128xf32, #tpu.memory_space<vmem>>, vector<1x16xf32>,
    %get3A_802 = arith.constant 1 : i32
    %get3A_803 = arith.index_cast %get3A_802 : i32 to index
    %get3A_804 = arith.constant 112 : index
    %get3A_805 = tpu.vector_load %arg9[%get3A_803, %get3A_804] {strides = array<i32>} : memref<4x128xi32, #tpu.memory_space<vmem>>, vector<1x16xi32>,
    %get3A_806 = vector.shape_cast %get3A_805 : vector<1x16xi32> to vector<16xi32>
    %get3A_807 = arith.constant 1 : i32
    %get3A_808 = arith.index_cast %get3A_807 : i32 to index
    %get3A_809 = arith.constant 112 : index
    %get3A_810 = tpu.vector_load %arg10[%get3A_808, %get3A_809] {strides = array<i32>} : memref<4x128xi32, #tpu.memory_space<vmem>>, vector<1x16xi32>,
    %get3A_811 = vector.shape_cast %get3A_810 : vector<1x16xi32> to vector<16xi32>
    %shift_right_logical3A_812 = arith.constant 1 : i32
    %shift_right_logical3A_813 = vector.broadcast %shift_right_logical3A_812 : i32 to vector<16xi32>
    %shift_right_logical3A_814 = arith.shrui %get3A_806, %shift_right_logical3A_813 : vector<16xi32>
    %swap3A_815 = arith.constant 1 : i32
    %swap3A_816 = arith.index_cast %swap3A_815 : i32 to index
    %swap3A_817 = arith.constant 112 : index
    %swap3A_818 = tpu.vector_load %arg11[%swap3A_816, %swap3A_817] {strides = array<i32>} : memref<2x128xi32, #tpu.memory_space<vmem>>, vector<1x16xi32>,
    %swap3A_819 = vector.shape_cast %swap3A_818 : vector<1x16xi32> to vector<16xi32>
    %swap3A_820 = vector.shape_cast %shift_right_logical3A_814 : vector<16xi32> to vector<1x16xi32>
    tpu.vector_store %arg11[%swap3A_816, %swap3A_817], %swap3A_820 {strides = array<i32>} : memref<2x128xi32, #tpu.memory_space<vmem>>, vector<1x16xi32>,
    %shift_right_logical3A_821 = arith.constant 1 : i32
    %shift_right_logical3A_822 = vector.broadcast %shift_right_logical3A_821 : i32 to vector<16xi32>
    %shift_right_logical3A_823 = arith.shrui %get3A_811, %shift_right_logical3A_822 : vector<16xi32>
    %swap3A_824 = arith.constant 1 : i32
    %swap3A_825 = arith.index_cast %swap3A_824 : i32 to index
    %swap3A_826 = arith.constant 112 : index
    %swap3A_827 = tpu.vector_load %arg12[%swap3A_825, %swap3A_826] {strides = array<i32>} : memref<2x128xi32, #tpu.memory_space<vmem>>, vector<1x16xi32>,
    %swap3A_828 = vector.shape_cast %swap3A_827 : vector<1x16xi32> to vector<16xi32>
    %swap3A_829 = vector.shape_cast %shift_right_logical3A_823 : vector<16xi32> to vector<1x16xi32>
    tpu.vector_store %arg12[%swap3A_825, %swap3A_826], %swap3A_829 {strides = array<i32>} : memref<2x128xi32, #tpu.memory_space<vmem>>, vector<1x16xi32>,
    %and3A_830 = arith.constant 1 : i32
    %and3A_831 = vector.broadcast %and3A_830 : i32 to vector<16xi32>
    %and3A_832 = arith.andi %get3A_806, %and3A_831 : vector<16xi32>
    %convert_element_type3A_833 = arith.sitofp %and3A_832 : vector<16xi32> to vector<16xf32>
    %swap3A_834 = arith.constant 1 : i32
    %swap3A_835 = arith.index_cast %swap3A_834 : i32 to index
    %swap3A_836 = arith.constant 112 : index
    %swap3A_837 = tpu.vector_load %arg13[%swap3A_835, %swap3A_836] {strides = array<i32>} : memref<2x128xf32, #tpu.memory_space<vmem>>, vector<1x16xf32>,
    %swap3A_838 = vector.shape_cast %swap3A_837 : vector<1x16xf32> to vector<16xf32>
    %swap3A_839 = vector.shape_cast %convert_element_type3A_833 : vector<16xf32> to vector<1x16xf32>
    tpu.vector_store %arg13[%swap3A_835, %swap3A_836], %swap3A_839 {strides = array<i32>} : memref<2x128xf32, #tpu.memory_space<vmem>>, vector<1x16xf32>,
    %and3A_840 = arith.constant 1 : i32
    %and3A_841 = vector.broadcast %and3A_840 : i32 to vector<16xi32>
    %and3A_842 = arith.andi %get3A_811, %and3A_841 : vector<16xi32>
    %convert_element_type3A_843 = arith.sitofp %and3A_842 : vector<16xi32> to vector<16xf32>
    %swap3A_844 = arith.constant 1 : i32
    %swap3A_845 = arith.index_cast %swap3A_844 : i32 to index
    %swap3A_846 = arith.constant 112 : index
    %swap3A_847 = tpu.vector_load %arg14[%swap3A_845, %swap3A_846] {strides = array<i32>} : memref<2x128xf32, #tpu.memory_space<vmem>>, vector<1x16xf32>,
    %swap3A_848 = vector.shape_cast %swap3A_847 : vector<1x16xf32> to vector<16xf32>
    %swap3A_849 = vector.shape_cast %convert_element_type3A_843 : vector<16xf32> to vector<1x16xf32>
    tpu.vector_store %arg14[%swap3A_845, %swap3A_846], %swap3A_849 {strides = array<i32>} : memref<2x128xf32, #tpu.memory_space<vmem>>, vector<1x16xf32>,
    %mul3A_850 = arith.constant 512 : i32
    %mul3A_851 = arith.muli %add3A, %mul3A_850 : i32
    %add3A_852 = arith.constant 0 : i32
    %add3A_853 = arith.addi %mul3A_851, %add3A_852 : i32
    "tpu.region"() ({
      %run_scoped3A = tpu.sem_alloc : memref<!tpu.dma_semaphore, #tpu.memory_space<semaphore_mem>>
      %dma_start3A = tpu.memref_slice %arg8[%add3A_853] : memref<16384xf32, #tpu.memory_space<hbm>> -> memref<256xf32, #tpu.memory_space<hbm>>
      %dma_start3A_1626 = tpu.memref_slice %arg8[%add3A_853] : memref<16384xf32, #tpu.memory_space<hbm>> -> memref<256xf32, #tpu.memory_space<hbm>>
      tpu.enqueue_dma source(%arg19 : memref<256xf32, #tpu.memory_space<vmem>>) target(%dma_start3A_1626 : memref<256xf32, #tpu.memory_space<hbm>>) target_semaphore(%run_scoped3A : memref<!tpu.dma_semaphore, #tpu.memory_space<semaphore_mem>>)
      %dma_wait3A = tpu.memref_slice %arg8[%add3A_853] : memref<16384xf32, #tpu.memory_space<hbm>> -> memref<256xf32, #tpu.memory_space<hbm>>
      %dma_wait3A_1627 = tpu.memref_slice %arg8[%add3A_853] : memref<16384xf32, #tpu.memory_space<hbm>> -> memref<256xf32, #tpu.memory_space<hbm>>
      tpu.wait_dma2 semaphore(%run_scoped3A : memref<!tpu.dma_semaphore, #tpu.memory_space<semaphore_mem>>) src(%arg19 : memref<256xf32, #tpu.memory_space<vmem>>) dst(%dma_wait3A_1627 : memref<256xf32, #tpu.memory_space<hbm>>)
      tpu.yield
    }) : () -> ()
    %get3A_854 = arith.constant 2 : i32
    %get3A_855 = arith.index_cast %get3A_854 : i32 to index
    %get3A_856 = arith.constant 0 : index
    %get3A_857 = tpu.vector_load %arg9[%get3A_855, %get3A_856] {strides = array<i32>} : memref<4x128xi32, #tpu.memory_space<vmem>>, vector<1x16xi32>,
    %get3A_858 = vector.shape_cast %get3A_857 : vector<1x16xi32> to vector<16xi32>
    %get3A_859 = arith.constant 2 : i32
    %get3A_860 = arith.index_cast %get3A_859 : i32 to index
    %get3A_861 = arith.constant 0 : index
    %get3A_862 = tpu.vector_load %arg10[%get3A_860, %get3A_861] {strides = array<i32>} : memref<4x128xi32, #tpu.memory_space<vmem>>, vector<1x16xi32>,
    %get3A_863 = vector.shape_cast %get3A_862 : vector<1x16xi32> to vector<16xi32>
    %shift_right_logical3A_864 = arith.constant 1 : i32
    %shift_right_logical3A_865 = vector.broadcast %shift_right_logical3A_864 : i32 to vector<16xi32>
    %shift_right_logical3A_866 = arith.shrui %get3A_858, %shift_right_logical3A_865 : vector<16xi32>
    %swap3A_867 = arith.constant 0 : i32
    %swap3A_868 = arith.index_cast %swap3A_867 : i32 to index
    %swap3A_869 = arith.constant 0 : index
    %swap3A_870 = tpu.vector_load %arg11[%swap3A_868, %swap3A_869] {strides = array<i32>} : memref<2x128xi32, #tpu.memory_space<vmem>>, vector<1x16xi32>,
    %swap3A_871 = vector.shape_cast %swap3A_870 : vector<1x16xi32> to vector<16xi32>
    %swap3A_872 = vector.shape_cast %shift_right_logical3A_866 : vector<16xi32> to vector<1x16xi32>
    tpu.vector_store %arg11[%swap3A_868, %swap3A_869], %swap3A_872 {strides = array<i32>} : memref<2x128xi32, #tpu.memory_space<vmem>>, vector<1x16xi32>,
    %shift_right_logical3A_873 = arith.constant 1 : i32
    %shift_right_logical3A_874 = vector.broadcast %shift_right_logical3A_873 : i32 to vector<16xi32>
    %shift_right_logical3A_875 = arith.shrui %get3A_863, %shift_right_logical3A_874 : vector<16xi32>
    %swap3A_876 = arith.constant 0 : i32
    %swap3A_877 = arith.index_cast %swap3A_876 : i32 to index
    %swap3A_878 = arith.constant 0 : index
    %swap3A_879 = tpu.vector_load %arg12[%swap3A_877, %swap3A_878] {strides = array<i32>} : memref<2x128xi32, #tpu.memory_space<vmem>>, vector<1x16xi32>,
    %swap3A_880 = vector.shape_cast %swap3A_879 : vector<1x16xi32> to vector<16xi32>
    %swap3A_881 = vector.shape_cast %shift_right_logical3A_875 : vector<16xi32> to vector<1x16xi32>
    tpu.vector_store %arg12[%swap3A_877, %swap3A_878], %swap3A_881 {strides = array<i32>} : memref<2x128xi32, #tpu.memory_space<vmem>>, vector<1x16xi32>,
    %and3A_882 = arith.constant 1 : i32
    %and3A_883 = vector.broadcast %and3A_882 : i32 to vector<16xi32>
    %and3A_884 = arith.andi %get3A_858, %and3A_883 : vector<16xi32>
    %convert_element_type3A_885 = arith.sitofp %and3A_884 : vector<16xi32> to vector<16xf32>
    %swap3A_886 = arith.constant 0 : i32
    %swap3A_887 = arith.index_cast %swap3A_886 : i32 to index
    %swap3A_888 = arith.constant 0 : index
    %swap3A_889 = tpu.vector_load %arg13[%swap3A_887, %swap3A_888] {strides = array<i32>} : memref<2x128xf32, #tpu.memory_space<vmem>>, vector<1x16xf32>,
    %swap3A_890 = vector.shape_cast %swap3A_889 : vector<1x16xf32> to vector<16xf32>
    %swap3A_891 = vector.shape_cast %convert_element_type3A_885 : vector<16xf32> to vector<1x16xf32>
    tpu.vector_store %arg13[%swap3A_887, %swap3A_888], %swap3A_891 {strides = array<i32>} : memref<2x128xf32, #tpu.memory_space<vmem>>, vector<1x16xf32>,
    %and3A_892 = arith.constant 1 : i32
    %and3A_893 = vector.broadcast %and3A_892 : i32 to vector<16xi32>
    %and3A_894 = arith.andi %get3A_863, %and3A_893 : vector<16xi32>
    %convert_element_type3A_895 = arith.sitofp %and3A_894 : vector<16xi32> to vector<16xf32>
    %swap3A_896 = arith.constant 0 : i32
    %swap3A_897 = arith.index_cast %swap3A_896 : i32 to index
    %swap3A_898 = arith.constant 0 : index
    %swap3A_899 = tpu.vector_load %arg14[%swap3A_897, %swap3A_898] {strides = array<i32>} : memref<2x128xf32, #tpu.memory_space<vmem>>, vector<1x16xf32>,
    %swap3A_900 = vector.shape_cast %swap3A_899 : vector<1x16xf32> to vector<16xf32>
    %swap3A_901 = vector.shape_cast %convert_element_type3A_895 : vector<16xf32> to vector<1x16xf32>
    tpu.vector_store %arg14[%swap3A_897, %swap3A_898], %swap3A_901 {strides = array<i32>} : memref<2x128xf32, #tpu.memory_space<vmem>>, vector<1x16xf32>,
    %get3A_902 = arith.constant 2 : i32
    %get3A_903 = arith.index_cast %get3A_902 : i32 to index
    %get3A_904 = arith.constant 16 : index
    %get3A_905 = tpu.vector_load %arg9[%get3A_903, %get3A_904] {strides = array<i32>} : memref<4x128xi32, #tpu.memory_space<vmem>>, vector<1x16xi32>,
    %get3A_906 = vector.shape_cast %get3A_905 : vector<1x16xi32> to vector<16xi32>
    %get3A_907 = arith.constant 2 : i32
    %get3A_908 = arith.index_cast %get3A_907 : i32 to index
    %get3A_909 = arith.constant 16 : index
    %get3A_910 = tpu.vector_load %arg10[%get3A_908, %get3A_909] {strides = array<i32>} : memref<4x128xi32, #tpu.memory_space<vmem>>, vector<1x16xi32>,
    %get3A_911 = vector.shape_cast %get3A_910 : vector<1x16xi32> to vector<16xi32>
    %shift_right_logical3A_912 = arith.constant 1 : i32
    %shift_right_logical3A_913 = vector.broadcast %shift_right_logical3A_912 : i32 to vector<16xi32>
    %shift_right_logical3A_914 = arith.shrui %get3A_906, %shift_right_logical3A_913 : vector<16xi32>
    %swap3A_915 = arith.constant 0 : i32
    %swap3A_916 = arith.index_cast %swap3A_915 : i32 to index
    %swap3A_917 = arith.constant 16 : index
    %swap3A_918 = tpu.vector_load %arg11[%swap3A_916, %swap3A_917] {strides = array<i32>} : memref<2x128xi32, #tpu.memory_space<vmem>>, vector<1x16xi32>,
    %swap3A_919 = vector.shape_cast %swap3A_918 : vector<1x16xi32> to vector<16xi32>
    %swap3A_920 = vector.shape_cast %shift_right_logical3A_914 : vector<16xi32> to vector<1x16xi32>
    tpu.vector_store %arg11[%swap3A_916, %swap3A_917], %swap3A_920 {strides = array<i32>} : memref<2x128xi32, #tpu.memory_space<vmem>>, vector<1x16xi32>,
    %shift_right_logical3A_921 = arith.constant 1 : i32
    %shift_right_logical3A_922 = vector.broadcast %shift_right_logical3A_921 : i32 to vector<16xi32>
    %shift_right_logical3A_923 = arith.shrui %get3A_911, %shift_right_logical3A_922 : vector<16xi32>
    %swap3A_924 = arith.constant 0 : i32
    %swap3A_925 = arith.index_cast %swap3A_924 : i32 to index
    %swap3A_926 = arith.constant 16 : index
    %swap3A_927 = tpu.vector_load %arg12[%swap3A_925, %swap3A_926] {strides = array<i32>} : memref<2x128xi32, #tpu.memory_space<vmem>>, vector<1x16xi32>,
    %swap3A_928 = vector.shape_cast %swap3A_927 : vector<1x16xi32> to vector<16xi32>
    %swap3A_929 = vector.shape_cast %shift_right_logical3A_923 : vector<16xi32> to vector<1x16xi32>
    tpu.vector_store %arg12[%swap3A_925, %swap3A_926], %swap3A_929 {strides = array<i32>} : memref<2x128xi32, #tpu.memory_space<vmem>>, vector<1x16xi32>,
    %and3A_930 = arith.constant 1 : i32
    %and3A_931 = vector.broadcast %and3A_930 : i32 to vector<16xi32>
    %and3A_932 = arith.andi %get3A_906, %and3A_931 : vector<16xi32>
    %convert_element_type3A_933 = arith.sitofp %and3A_932 : vector<16xi32> to vector<16xf32>
    %swap3A_934 = arith.constant 0 : i32
    %swap3A_935 = arith.index_cast %swap3A_934 : i32 to index
    %swap3A_936 = arith.constant 16 : index
    %swap3A_937 = tpu.vector_load %arg13[%swap3A_935, %swap3A_936] {strides = array<i32>} : memref<2x128xf32, #tpu.memory_space<vmem>>, vector<1x16xf32>,
    %swap3A_938 = vector.shape_cast %swap3A_937 : vector<1x16xf32> to vector<16xf32>
    %swap3A_939 = vector.shape_cast %convert_element_type3A_933 : vector<16xf32> to vector<1x16xf32>
    tpu.vector_store %arg13[%swap3A_935, %swap3A_936], %swap3A_939 {strides = array<i32>} : memref<2x128xf32, #tpu.memory_space<vmem>>, vector<1x16xf32>,
    %and3A_940 = arith.constant 1 : i32
    %and3A_941 = vector.broadcast %and3A_940 : i32 to vector<16xi32>
    %and3A_942 = arith.andi %get3A_911, %and3A_941 : vector<16xi32>
    %convert_element_type3A_943 = arith.sitofp %and3A_942 : vector<16xi32> to vector<16xf32>
    %swap3A_944 = arith.constant 0 : i32
    %swap3A_945 = arith.index_cast %swap3A_944 : i32 to index
    %swap3A_946 = arith.constant 16 : index
    %swap3A_947 = tpu.vector_load %arg14[%swap3A_945, %swap3A_946] {strides = array<i32>} : memref<2x128xf32, #tpu.memory_space<vmem>>, vector<1x16xf32>,
    %swap3A_948 = vector.shape_cast %swap3A_947 : vector<1x16xf32> to vector<16xf32>
    %swap3A_949 = vector.shape_cast %convert_element_type3A_943 : vector<16xf32> to vector<1x16xf32>
    tpu.vector_store %arg14[%swap3A_945, %swap3A_946], %swap3A_949 {strides = array<i32>} : memref<2x128xf32, #tpu.memory_space<vmem>>, vector<1x16xf32>,
    %get3A_950 = arith.constant 2 : i32
    %get3A_951 = arith.index_cast %get3A_950 : i32 to index
    %get3A_952 = arith.constant 32 : index
    %get3A_953 = tpu.vector_load %arg9[%get3A_951, %get3A_952] {strides = array<i32>} : memref<4x128xi32, #tpu.memory_space<vmem>>, vector<1x16xi32>,
    %get3A_954 = vector.shape_cast %get3A_953 : vector<1x16xi32> to vector<16xi32>
    %get3A_955 = arith.constant 2 : i32
    %get3A_956 = arith.index_cast %get3A_955 : i32 to index
    %get3A_957 = arith.constant 32 : index
    %get3A_958 = tpu.vector_load %arg10[%get3A_956, %get3A_957] {strides = array<i32>} : memref<4x128xi32, #tpu.memory_space<vmem>>, vector<1x16xi32>,
    %get3A_959 = vector.shape_cast %get3A_958 : vector<1x16xi32> to vector<16xi32>
    %shift_right_logical3A_960 = arith.constant 1 : i32
    %shift_right_logical3A_961 = vector.broadcast %shift_right_logical3A_960 : i32 to vector<16xi32>
    %shift_right_logical3A_962 = arith.shrui %get3A_954, %shift_right_logical3A_961 : vector<16xi32>
    %swap3A_963 = arith.constant 0 : i32
    %swap3A_964 = arith.index_cast %swap3A_963 : i32 to index
    %swap3A_965 = arith.constant 32 : index
    %swap3A_966 = tpu.vector_load %arg11[%swap3A_964, %swap3A_965] {strides = array<i32>} : memref<2x128xi32, #tpu.memory_space<vmem>>, vector<1x16xi32>,
    %swap3A_967 = vector.shape_cast %swap3A_966 : vector<1x16xi32> to vector<16xi32>
    %swap3A_968 = vector.shape_cast %shift_right_logical3A_962 : vector<16xi32> to vector<1x16xi32>
    tpu.vector_store %arg11[%swap3A_964, %swap3A_965], %swap3A_968 {strides = array<i32>} : memref<2x128xi32, #tpu.memory_space<vmem>>, vector<1x16xi32>,
    %shift_right_logical3A_969 = arith.constant 1 : i32
    %shift_right_logical3A_970 = vector.broadcast %shift_right_logical3A_969 : i32 to vector<16xi32>
    %shift_right_logical3A_971 = arith.shrui %get3A_959, %shift_right_logical3A_970 : vector<16xi32>
    %swap3A_972 = arith.constant 0 : i32
    %swap3A_973 = arith.index_cast %swap3A_972 : i32 to index
    %swap3A_974 = arith.constant 32 : index
    %swap3A_975 = tpu.vector_load %arg12[%swap3A_973, %swap3A_974] {strides = array<i32>} : memref<2x128xi32, #tpu.memory_space<vmem>>, vector<1x16xi32>,
    %swap3A_976 = vector.shape_cast %swap3A_975 : vector<1x16xi32> to vector<16xi32>
    %swap3A_977 = vector.shape_cast %shift_right_logical3A_971 : vector<16xi32> to vector<1x16xi32>
    tpu.vector_store %arg12[%swap3A_973, %swap3A_974], %swap3A_977 {strides = array<i32>} : memref<2x128xi32, #tpu.memory_space<vmem>>, vector<1x16xi32>,
    %and3A_978 = arith.constant 1 : i32
    %and3A_979 = vector.broadcast %and3A_978 : i32 to vector<16xi32>
    %and3A_980 = arith.andi %get3A_954, %and3A_979 : vector<16xi32>
    %convert_element_type3A_981 = arith.sitofp %and3A_980 : vector<16xi32> to vector<16xf32>
    %swap3A_982 = arith.constant 0 : i32
    %swap3A_983 = arith.index_cast %swap3A_982 : i32 to index
    %swap3A_984 = arith.constant 32 : index
    %swap3A_985 = tpu.vector_load %arg13[%swap3A_983, %swap3A_984] {strides = array<i32>} : memref<2x128xf32, #tpu.memory_space<vmem>>, vector<1x16xf32>,
    %swap3A_986 = vector.shape_cast %swap3A_985 : vector<1x16xf32> to vector<16xf32>
    %swap3A_987 = vector.shape_cast %convert_element_type3A_981 : vector<16xf32> to vector<1x16xf32>
    tpu.vector_store %arg13[%swap3A_983, %swap3A_984], %swap3A_987 {strides = array<i32>} : memref<2x128xf32, #tpu.memory_space<vmem>>, vector<1x16xf32>,
    %and3A_988 = arith.constant 1 : i32
    %and3A_989 = vector.broadcast %and3A_988 : i32 to vector<16xi32>
    %and3A_990 = arith.andi %get3A_959, %and3A_989 : vector<16xi32>
    %convert_element_type3A_991 = arith.sitofp %and3A_990 : vector<16xi32> to vector<16xf32>
    %swap3A_992 = arith.constant 0 : i32
    %swap3A_993 = arith.index_cast %swap3A_992 : i32 to index
    %swap3A_994 = arith.constant 32 : index
    %swap3A_995 = tpu.vector_load %arg14[%swap3A_993, %swap3A_994] {strides = array<i32>} : memref<2x128xf32, #tpu.memory_space<vmem>>, vector<1x16xf32>,
    %swap3A_996 = vector.shape_cast %swap3A_995 : vector<1x16xf32> to vector<16xf32>
    %swap3A_997 = vector.shape_cast %convert_element_type3A_991 : vector<16xf32> to vector<1x16xf32>
    tpu.vector_store %arg14[%swap3A_993, %swap3A_994], %swap3A_997 {strides = array<i32>} : memref<2x128xf32, #tpu.memory_space<vmem>>, vector<1x16xf32>,
    %get3A_998 = arith.constant 2 : i32
    %get3A_999 = arith.index_cast %get3A_998 : i32 to index
    %get3A_1000 = arith.constant 48 : index
    %get3A_1001 = tpu.vector_load %arg9[%get3A_999, %get3A_1000] {strides = array<i32>} : memref<4x128xi32, #tpu.memory_space<vmem>>, vector<1x16xi32>,
    %get3A_1002 = vector.shape_cast %get3A_1001 : vector<1x16xi32> to vector<16xi32>
    %get3A_1003 = arith.constant 2 : i32
    %get3A_1004 = arith.index_cast %get3A_1003 : i32 to index
    %get3A_1005 = arith.constant 48 : index
    %get3A_1006 = tpu.vector_load %arg10[%get3A_1004, %get3A_1005] {strides = array<i32>} : memref<4x128xi32, #tpu.memory_space<vmem>>, vector<1x16xi32>,
    %get3A_1007 = vector.shape_cast %get3A_1006 : vector<1x16xi32> to vector<16xi32>
    %shift_right_logical3A_1008 = arith.constant 1 : i32
    %shift_right_logical3A_1009 = vector.broadcast %shift_right_logical3A_1008 : i32 to vector<16xi32>
    %shift_right_logical3A_1010 = arith.shrui %get3A_1002, %shift_right_logical3A_1009 : vector<16xi32>
    %swap3A_1011 = arith.constant 0 : i32
    %swap3A_1012 = arith.index_cast %swap3A_1011 : i32 to index
    %swap3A_1013 = arith.constant 48 : index
    %swap3A_1014 = tpu.vector_load %arg11[%swap3A_1012, %swap3A_1013] {strides = array<i32>} : memref<2x128xi32, #tpu.memory_space<vmem>>, vector<1x16xi32>,
    %swap3A_1015 = vector.shape_cast %swap3A_1014 : vector<1x16xi32> to vector<16xi32>
    %swap3A_1016 = vector.shape_cast %shift_right_logical3A_1010 : vector<16xi32> to vector<1x16xi32>
    tpu.vector_store %arg11[%swap3A_1012, %swap3A_1013], %swap3A_1016 {strides = array<i32>} : memref<2x128xi32, #tpu.memory_space<vmem>>, vector<1x16xi32>,
    %shift_right_logical3A_1017 = arith.constant 1 : i32
    %shift_right_logical3A_1018 = vector.broadcast %shift_right_logical3A_1017 : i32 to vector<16xi32>
    %shift_right_logical3A_1019 = arith.shrui %get3A_1007, %shift_right_logical3A_1018 : vector<16xi32>
    %swap3A_1020 = arith.constant 0 : i32
    %swap3A_1021 = arith.index_cast %swap3A_1020 : i32 to index
    %swap3A_1022 = arith.constant 48 : index
    %swap3A_1023 = tpu.vector_load %arg12[%swap3A_1021, %swap3A_1022] {strides = array<i32>} : memref<2x128xi32, #tpu.memory_space<vmem>>, vector<1x16xi32>,
    %swap3A_1024 = vector.shape_cast %swap3A_1023 : vector<1x16xi32> to vector<16xi32>
    %swap3A_1025 = vector.shape_cast %shift_right_logical3A_1019 : vector<16xi32> to vector<1x16xi32>
    tpu.vector_store %arg12[%swap3A_1021, %swap3A_1022], %swap3A_1025 {strides = array<i32>} : memref<2x128xi32, #tpu.memory_space<vmem>>, vector<1x16xi32>,
    %and3A_1026 = arith.constant 1 : i32
    %and3A_1027 = vector.broadcast %and3A_1026 : i32 to vector<16xi32>
    %and3A_1028 = arith.andi %get3A_1002, %and3A_1027 : vector<16xi32>
    %convert_element_type3A_1029 = arith.sitofp %and3A_1028 : vector<16xi32> to vector<16xf32>
    %swap3A_1030 = arith.constant 0 : i32
    %swap3A_1031 = arith.index_cast %swap3A_1030 : i32 to index
    %swap3A_1032 = arith.constant 48 : index
    %swap3A_1033 = tpu.vector_load %arg13[%swap3A_1031, %swap3A_1032] {strides = array<i32>} : memref<2x128xf32, #tpu.memory_space<vmem>>, vector<1x16xf32>,
    %swap3A_1034 = vector.shape_cast %swap3A_1033 : vector<1x16xf32> to vector<16xf32>
    %swap3A_1035 = vector.shape_cast %convert_element_type3A_1029 : vector<16xf32> to vector<1x16xf32>
    tpu.vector_store %arg13[%swap3A_1031, %swap3A_1032], %swap3A_1035 {strides = array<i32>} : memref<2x128xf32, #tpu.memory_space<vmem>>, vector<1x16xf32>,
    %and3A_1036 = arith.constant 1 : i32
    %and3A_1037 = vector.broadcast %and3A_1036 : i32 to vector<16xi32>
    %and3A_1038 = arith.andi %get3A_1007, %and3A_1037 : vector<16xi32>
    %convert_element_type3A_1039 = arith.sitofp %and3A_1038 : vector<16xi32> to vector<16xf32>
    %swap3A_1040 = arith.constant 0 : i32
    %swap3A_1041 = arith.index_cast %swap3A_1040 : i32 to index
    %swap3A_1042 = arith.constant 48 : index
    %swap3A_1043 = tpu.vector_load %arg14[%swap3A_1041, %swap3A_1042] {strides = array<i32>} : memref<2x128xf32, #tpu.memory_space<vmem>>, vector<1x16xf32>,
    %swap3A_1044 = vector.shape_cast %swap3A_1043 : vector<1x16xf32> to vector<16xf32>
    %swap3A_1045 = vector.shape_cast %convert_element_type3A_1039 : vector<16xf32> to vector<1x16xf32>
    tpu.vector_store %arg14[%swap3A_1041, %swap3A_1042], %swap3A_1045 {strides = array<i32>} : memref<2x128xf32, #tpu.memory_space<vmem>>, vector<1x16xf32>,
    %get3A_1046 = arith.constant 2 : i32
    %get3A_1047 = arith.index_cast %get3A_1046 : i32 to index
    %get3A_1048 = arith.constant 64 : index
    %get3A_1049 = tpu.vector_load %arg9[%get3A_1047, %get3A_1048] {strides = array<i32>} : memref<4x128xi32, #tpu.memory_space<vmem>>, vector<1x16xi32>,
    %get3A_1050 = vector.shape_cast %get3A_1049 : vector<1x16xi32> to vector<16xi32>
    %get3A_1051 = arith.constant 2 : i32
    %get3A_1052 = arith.index_cast %get3A_1051 : i32 to index
    %get3A_1053 = arith.constant 64 : index
    %get3A_1054 = tpu.vector_load %arg10[%get3A_1052, %get3A_1053] {strides = array<i32>} : memref<4x128xi32, #tpu.memory_space<vmem>>, vector<1x16xi32>,
    %get3A_1055 = vector.shape_cast %get3A_1054 : vector<1x16xi32> to vector<16xi32>
    %shift_right_logical3A_1056 = arith.constant 1 : i32
    %shift_right_logical3A_1057 = vector.broadcast %shift_right_logical3A_1056 : i32 to vector<16xi32>
    %shift_right_logical3A_1058 = arith.shrui %get3A_1050, %shift_right_logical3A_1057 : vector<16xi32>
    %swap3A_1059 = arith.constant 0 : i32
    %swap3A_1060 = arith.index_cast %swap3A_1059 : i32 to index
    %swap3A_1061 = arith.constant 64 : index
    %swap3A_1062 = tpu.vector_load %arg11[%swap3A_1060, %swap3A_1061] {strides = array<i32>} : memref<2x128xi32, #tpu.memory_space<vmem>>, vector<1x16xi32>,
    %swap3A_1063 = vector.shape_cast %swap3A_1062 : vector<1x16xi32> to vector<16xi32>
    %swap3A_1064 = vector.shape_cast %shift_right_logical3A_1058 : vector<16xi32> to vector<1x16xi32>
    tpu.vector_store %arg11[%swap3A_1060, %swap3A_1061], %swap3A_1064 {strides = array<i32>} : memref<2x128xi32, #tpu.memory_space<vmem>>, vector<1x16xi32>,
    %shift_right_logical3A_1065 = arith.constant 1 : i32
    %shift_right_logical3A_1066 = vector.broadcast %shift_right_logical3A_1065 : i32 to vector<16xi32>
    %shift_right_logical3A_1067 = arith.shrui %get3A_1055, %shift_right_logical3A_1066 : vector<16xi32>
    %swap3A_1068 = arith.constant 0 : i32
    %swap3A_1069 = arith.index_cast %swap3A_1068 : i32 to index
    %swap3A_1070 = arith.constant 64 : index
    %swap3A_1071 = tpu.vector_load %arg12[%swap3A_1069, %swap3A_1070] {strides = array<i32>} : memref<2x128xi32, #tpu.memory_space<vmem>>, vector<1x16xi32>,
    %swap3A_1072 = vector.shape_cast %swap3A_1071 : vector<1x16xi32> to vector<16xi32>
    %swap3A_1073 = vector.shape_cast %shift_right_logical3A_1067 : vector<16xi32> to vector<1x16xi32>
    tpu.vector_store %arg12[%swap3A_1069, %swap3A_1070], %swap3A_1073 {strides = array<i32>} : memref<2x128xi32, #tpu.memory_space<vmem>>, vector<1x16xi32>,
    %and3A_1074 = arith.constant 1 : i32
    %and3A_1075 = vector.broadcast %and3A_1074 : i32 to vector<16xi32>
    %and3A_1076 = arith.andi %get3A_1050, %and3A_1075 : vector<16xi32>
    %convert_element_type3A_1077 = arith.sitofp %and3A_1076 : vector<16xi32> to vector<16xf32>
    %swap3A_1078 = arith.constant 0 : i32
    %swap3A_1079 = arith.index_cast %swap3A_1078 : i32 to index
    %swap3A_1080 = arith.constant 64 : index
    %swap3A_1081 = tpu.vector_load %arg13[%swap3A_1079, %swap3A_1080] {strides = array<i32>} : memref<2x128xf32, #tpu.memory_space<vmem>>, vector<1x16xf32>,
    %swap3A_1082 = vector.shape_cast %swap3A_1081 : vector<1x16xf32> to vector<16xf32>
    %swap3A_1083 = vector.shape_cast %convert_element_type3A_1077 : vector<16xf32> to vector<1x16xf32>
    tpu.vector_store %arg13[%swap3A_1079, %swap3A_1080], %swap3A_1083 {strides = array<i32>} : memref<2x128xf32, #tpu.memory_space<vmem>>, vector<1x16xf32>,
    %and3A_1084 = arith.constant 1 : i32
    %and3A_1085 = vector.broadcast %and3A_1084 : i32 to vector<16xi32>
    %and3A_1086 = arith.andi %get3A_1055, %and3A_1085 : vector<16xi32>
    %convert_element_type3A_1087 = arith.sitofp %and3A_1086 : vector<16xi32> to vector<16xf32>
    %swap3A_1088 = arith.constant 0 : i32
    %swap3A_1089 = arith.index_cast %swap3A_1088 : i32 to index
    %swap3A_1090 = arith.constant 64 : index
    %swap3A_1091 = tpu.vector_load %arg14[%swap3A_1089, %swap3A_1090] {strides = array<i32>} : memref<2x128xf32, #tpu.memory_space<vmem>>, vector<1x16xf32>,
    %swap3A_1092 = vector.shape_cast %swap3A_1091 : vector<1x16xf32> to vector<16xf32>
    %swap3A_1093 = vector.shape_cast %convert_element_type3A_1087 : vector<16xf32> to vector<1x16xf32>
    tpu.vector_store %arg14[%swap3A_1089, %swap3A_1090], %swap3A_1093 {strides = array<i32>} : memref<2x128xf32, #tpu.memory_space<vmem>>, vector<1x16xf32>,
    %get3A_1094 = arith.constant 2 : i32
    %get3A_1095 = arith.index_cast %get3A_1094 : i32 to index
    %get3A_1096 = arith.constant 80 : index
    %get3A_1097 = tpu.vector_load %arg9[%get3A_1095, %get3A_1096] {strides = array<i32>} : memref<4x128xi32, #tpu.memory_space<vmem>>, vector<1x16xi32>,
    %get3A_1098 = vector.shape_cast %get3A_1097 : vector<1x16xi32> to vector<16xi32>
    %get3A_1099 = arith.constant 2 : i32
    %get3A_1100 = arith.index_cast %get3A_1099 : i32 to index
    %get3A_1101 = arith.constant 80 : index
    %get3A_1102 = tpu.vector_load %arg10[%get3A_1100, %get3A_1101] {strides = array<i32>} : memref<4x128xi32, #tpu.memory_space<vmem>>, vector<1x16xi32>,
    %get3A_1103 = vector.shape_cast %get3A_1102 : vector<1x16xi32> to vector<16xi32>
    %shift_right_logical3A_1104 = arith.constant 1 : i32
    %shift_right_logical3A_1105 = vector.broadcast %shift_right_logical3A_1104 : i32 to vector<16xi32>
    %shift_right_logical3A_1106 = arith.shrui %get3A_1098, %shift_right_logical3A_1105 : vector<16xi32>
    %swap3A_1107 = arith.constant 0 : i32
    %swap3A_1108 = arith.index_cast %swap3A_1107 : i32 to index
    %swap3A_1109 = arith.constant 80 : index
    %swap3A_1110 = tpu.vector_load %arg11[%swap3A_1108, %swap3A_1109] {strides = array<i32>} : memref<2x128xi32, #tpu.memory_space<vmem>>, vector<1x16xi32>,
    %swap3A_1111 = vector.shape_cast %swap3A_1110 : vector<1x16xi32> to vector<16xi32>
    %swap3A_1112 = vector.shape_cast %shift_right_logical3A_1106 : vector<16xi32> to vector<1x16xi32>
    tpu.vector_store %arg11[%swap3A_1108, %swap3A_1109], %swap3A_1112 {strides = array<i32>} : memref<2x128xi32, #tpu.memory_space<vmem>>, vector<1x16xi32>,
    %shift_right_logical3A_1113 = arith.constant 1 : i32
    %shift_right_logical3A_1114 = vector.broadcast %shift_right_logical3A_1113 : i32 to vector<16xi32>
    %shift_right_logical3A_1115 = arith.shrui %get3A_1103, %shift_right_logical3A_1114 : vector<16xi32>
    %swap3A_1116 = arith.constant 0 : i32
    %swap3A_1117 = arith.index_cast %swap3A_1116 : i32 to index
    %swap3A_1118 = arith.constant 80 : index
    %swap3A_1119 = tpu.vector_load %arg12[%swap3A_1117, %swap3A_1118] {strides = array<i32>} : memref<2x128xi32, #tpu.memory_space<vmem>>, vector<1x16xi32>,
    %swap3A_1120 = vector.shape_cast %swap3A_1119 : vector<1x16xi32> to vector<16xi32>
    %swap3A_1121 = vector.shape_cast %shift_right_logical3A_1115 : vector<16xi32> to vector<1x16xi32>
    tpu.vector_store %arg12[%swap3A_1117, %swap3A_1118], %swap3A_1121 {strides = array<i32>} : memref<2x128xi32, #tpu.memory_space<vmem>>, vector<1x16xi32>,
    %and3A_1122 = arith.constant 1 : i32
    %and3A_1123 = vector.broadcast %and3A_1122 : i32 to vector<16xi32>
    %and3A_1124 = arith.andi %get3A_1098, %and3A_1123 : vector<16xi32>
    %convert_element_type3A_1125 = arith.sitofp %and3A_1124 : vector<16xi32> to vector<16xf32>
    %swap3A_1126 = arith.constant 0 : i32
    %swap3A_1127 = arith.index_cast %swap3A_1126 : i32 to index
    %swap3A_1128 = arith.constant 80 : index
    %swap3A_1129 = tpu.vector_load %arg13[%swap3A_1127, %swap3A_1128] {strides = array<i32>} : memref<2x128xf32, #tpu.memory_space<vmem>>, vector<1x16xf32>,
    %swap3A_1130 = vector.shape_cast %swap3A_1129 : vector<1x16xf32> to vector<16xf32>
    %swap3A_1131 = vector.shape_cast %convert_element_type3A_1125 : vector<16xf32> to vector<1x16xf32>
    tpu.vector_store %arg13[%swap3A_1127, %swap3A_1128], %swap3A_1131 {strides = array<i32>} : memref<2x128xf32, #tpu.memory_space<vmem>>, vector<1x16xf32>,
    %and3A_1132 = arith.constant 1 : i32
    %and3A_1133 = vector.broadcast %and3A_1132 : i32 to vector<16xi32>
    %and3A_1134 = arith.andi %get3A_1103, %and3A_1133 : vector<16xi32>
    %convert_element_type3A_1135 = arith.sitofp %and3A_1134 : vector<16xi32> to vector<16xf32>
    %swap3A_1136 = arith.constant 0 : i32
    %swap3A_1137 = arith.index_cast %swap3A_1136 : i32 to index
    %swap3A_1138 = arith.constant 80 : index
    %swap3A_1139 = tpu.vector_load %arg14[%swap3A_1137, %swap3A_1138] {strides = array<i32>} : memref<2x128xf32, #tpu.memory_space<vmem>>, vector<1x16xf32>,
    %swap3A_1140 = vector.shape_cast %swap3A_1139 : vector<1x16xf32> to vector<16xf32>
    %swap3A_1141 = vector.shape_cast %convert_element_type3A_1135 : vector<16xf32> to vector<1x16xf32>
    tpu.vector_store %arg14[%swap3A_1137, %swap3A_1138], %swap3A_1141 {strides = array<i32>} : memref<2x128xf32, #tpu.memory_space<vmem>>, vector<1x16xf32>,
    %get3A_1142 = arith.constant 2 : i32
    %get3A_1143 = arith.index_cast %get3A_1142 : i32 to index
    %get3A_1144 = arith.constant 96 : index
    %get3A_1145 = tpu.vector_load %arg9[%get3A_1143, %get3A_1144] {strides = array<i32>} : memref<4x128xi32, #tpu.memory_space<vmem>>, vector<1x16xi32>,
    %get3A_1146 = vector.shape_cast %get3A_1145 : vector<1x16xi32> to vector<16xi32>
    %get3A_1147 = arith.constant 2 : i32
    %get3A_1148 = arith.index_cast %get3A_1147 : i32 to index
    %get3A_1149 = arith.constant 96 : index
    %get3A_1150 = tpu.vector_load %arg10[%get3A_1148, %get3A_1149] {strides = array<i32>} : memref<4x128xi32, #tpu.memory_space<vmem>>, vector<1x16xi32>,
    %get3A_1151 = vector.shape_cast %get3A_1150 : vector<1x16xi32> to vector<16xi32>
    %shift_right_logical3A_1152 = arith.constant 1 : i32
    %shift_right_logical3A_1153 = vector.broadcast %shift_right_logical3A_1152 : i32 to vector<16xi32>
    %shift_right_logical3A_1154 = arith.shrui %get3A_1146, %shift_right_logical3A_1153 : vector<16xi32>
    %swap3A_1155 = arith.constant 0 : i32
    %swap3A_1156 = arith.index_cast %swap3A_1155 : i32 to index
    %swap3A_1157 = arith.constant 96 : index
    %swap3A_1158 = tpu.vector_load %arg11[%swap3A_1156, %swap3A_1157] {strides = array<i32>} : memref<2x128xi32, #tpu.memory_space<vmem>>, vector<1x16xi32>,
    %swap3A_1159 = vector.shape_cast %swap3A_1158 : vector<1x16xi32> to vector<16xi32>
    %swap3A_1160 = vector.shape_cast %shift_right_logical3A_1154 : vector<16xi32> to vector<1x16xi32>
    tpu.vector_store %arg11[%swap3A_1156, %swap3A_1157], %swap3A_1160 {strides = array<i32>} : memref<2x128xi32, #tpu.memory_space<vmem>>, vector<1x16xi32>,
    %shift_right_logical3A_1161 = arith.constant 1 : i32
    %shift_right_logical3A_1162 = vector.broadcast %shift_right_logical3A_1161 : i32 to vector<16xi32>
    %shift_right_logical3A_1163 = arith.shrui %get3A_1151, %shift_right_logical3A_1162 : vector<16xi32>
    %swap3A_1164 = arith.constant 0 : i32
    %swap3A_1165 = arith.index_cast %swap3A_1164 : i32 to index
    %swap3A_1166 = arith.constant 96 : index
    %swap3A_1167 = tpu.vector_load %arg12[%swap3A_1165, %swap3A_1166] {strides = array<i32>} : memref<2x128xi32, #tpu.memory_space<vmem>>, vector<1x16xi32>,
    %swap3A_1168 = vector.shape_cast %swap3A_1167 : vector<1x16xi32> to vector<16xi32>
    %swap3A_1169 = vector.shape_cast %shift_right_logical3A_1163 : vector<16xi32> to vector<1x16xi32>
    tpu.vector_store %arg12[%swap3A_1165, %swap3A_1166], %swap3A_1169 {strides = array<i32>} : memref<2x128xi32, #tpu.memory_space<vmem>>, vector<1x16xi32>,
    %and3A_1170 = arith.constant 1 : i32
    %and3A_1171 = vector.broadcast %and3A_1170 : i32 to vector<16xi32>
    %and3A_1172 = arith.andi %get3A_1146, %and3A_1171 : vector<16xi32>
    %convert_element_type3A_1173 = arith.sitofp %and3A_1172 : vector<16xi32> to vector<16xf32>
    %swap3A_1174 = arith.constant 0 : i32
    %swap3A_1175 = arith.index_cast %swap3A_1174 : i32 to index
    %swap3A_1176 = arith.constant 96 : index
    %swap3A_1177 = tpu.vector_load %arg13[%swap3A_1175, %swap3A_1176] {strides = array<i32>} : memref<2x128xf32, #tpu.memory_space<vmem>>, vector<1x16xf32>,
    %swap3A_1178 = vector.shape_cast %swap3A_1177 : vector<1x16xf32> to vector<16xf32>
    %swap3A_1179 = vector.shape_cast %convert_element_type3A_1173 : vector<16xf32> to vector<1x16xf32>
    tpu.vector_store %arg13[%swap3A_1175, %swap3A_1176], %swap3A_1179 {strides = array<i32>} : memref<2x128xf32, #tpu.memory_space<vmem>>, vector<1x16xf32>,
    %and3A_1180 = arith.constant 1 : i32
    %and3A_1181 = vector.broadcast %and3A_1180 : i32 to vector<16xi32>
    %and3A_1182 = arith.andi %get3A_1151, %and3A_1181 : vector<16xi32>
    %convert_element_type3A_1183 = arith.sitofp %and3A_1182 : vector<16xi32> to vector<16xf32>
    %swap3A_1184 = arith.constant 0 : i32
    %swap3A_1185 = arith.index_cast %swap3A_1184 : i32 to index
    %swap3A_1186 = arith.constant 96 : index
    %swap3A_1187 = tpu.vector_load %arg14[%swap3A_1185, %swap3A_1186] {strides = array<i32>} : memref<2x128xf32, #tpu.memory_space<vmem>>, vector<1x16xf32>,
    %swap3A_1188 = vector.shape_cast %swap3A_1187 : vector<1x16xf32> to vector<16xf32>
    %swap3A_1189 = vector.shape_cast %convert_element_type3A_1183 : vector<16xf32> to vector<1x16xf32>
    tpu.vector_store %arg14[%swap3A_1185, %swap3A_1186], %swap3A_1189 {strides = array<i32>} : memref<2x128xf32, #tpu.memory_space<vmem>>, vector<1x16xf32>,
    %get3A_1190 = arith.constant 2 : i32
    %get3A_1191 = arith.index_cast %get3A_1190 : i32 to index
    %get3A_1192 = arith.constant 112 : index
    %get3A_1193 = tpu.vector_load %arg9[%get3A_1191, %get3A_1192] {strides = array<i32>} : memref<4x128xi32, #tpu.memory_space<vmem>>, vector<1x16xi32>,
    %get3A_1194 = vector.shape_cast %get3A_1193 : vector<1x16xi32> to vector<16xi32>
    %get3A_1195 = arith.constant 2 : i32
    %get3A_1196 = arith.index_cast %get3A_1195 : i32 to index
    %get3A_1197 = arith.constant 112 : index
    %get3A_1198 = tpu.vector_load %arg10[%get3A_1196, %get3A_1197] {strides = array<i32>} : memref<4x128xi32, #tpu.memory_space<vmem>>, vector<1x16xi32>,
    %get3A_1199 = vector.shape_cast %get3A_1198 : vector<1x16xi32> to vector<16xi32>
    %shift_right_logical3A_1200 = arith.constant 1 : i32
    %shift_right_logical3A_1201 = vector.broadcast %shift_right_logical3A_1200 : i32 to vector<16xi32>
    %shift_right_logical3A_1202 = arith.shrui %get3A_1194, %shift_right_logical3A_1201 : vector<16xi32>
    %swap3A_1203 = arith.constant 0 : i32
    %swap3A_1204 = arith.index_cast %swap3A_1203 : i32 to index
    %swap3A_1205 = arith.constant 112 : index
    %swap3A_1206 = tpu.vector_load %arg11[%swap3A_1204, %swap3A_1205] {strides = array<i32>} : memref<2x128xi32, #tpu.memory_space<vmem>>, vector<1x16xi32>,
    %swap3A_1207 = vector.shape_cast %swap3A_1206 : vector<1x16xi32> to vector<16xi32>
    %swap3A_1208 = vector.shape_cast %shift_right_logical3A_1202 : vector<16xi32> to vector<1x16xi32>
    tpu.vector_store %arg11[%swap3A_1204, %swap3A_1205], %swap3A_1208 {strides = array<i32>} : memref<2x128xi32, #tpu.memory_space<vmem>>, vector<1x16xi32>,
    %shift_right_logical3A_1209 = arith.constant 1 : i32
    %shift_right_logical3A_1210 = vector.broadcast %shift_right_logical3A_1209 : i32 to vector<16xi32>
    %shift_right_logical3A_1211 = arith.shrui %get3A_1199, %shift_right_logical3A_1210 : vector<16xi32>
    %swap3A_1212 = arith.constant 0 : i32
    %swap3A_1213 = arith.index_cast %swap3A_1212 : i32 to index
    %swap3A_1214 = arith.constant 112 : index
    %swap3A_1215 = tpu.vector_load %arg12[%swap3A_1213, %swap3A_1214] {strides = array<i32>} : memref<2x128xi32, #tpu.memory_space<vmem>>, vector<1x16xi32>,
    %swap3A_1216 = vector.shape_cast %swap3A_1215 : vector<1x16xi32> to vector<16xi32>
    %swap3A_1217 = vector.shape_cast %shift_right_logical3A_1211 : vector<16xi32> to vector<1x16xi32>
    tpu.vector_store %arg12[%swap3A_1213, %swap3A_1214], %swap3A_1217 {strides = array<i32>} : memref<2x128xi32, #tpu.memory_space<vmem>>, vector<1x16xi32>,
    %and3A_1218 = arith.constant 1 : i32
    %and3A_1219 = vector.broadcast %and3A_1218 : i32 to vector<16xi32>
    %and3A_1220 = arith.andi %get3A_1194, %and3A_1219 : vector<16xi32>
    %convert_element_type3A_1221 = arith.sitofp %and3A_1220 : vector<16xi32> to vector<16xf32>
    %swap3A_1222 = arith.constant 0 : i32
    %swap3A_1223 = arith.index_cast %swap3A_1222 : i32 to index
    %swap3A_1224 = arith.constant 112 : index
    %swap3A_1225 = tpu.vector_load %arg13[%swap3A_1223, %swap3A_1224] {strides = array<i32>} : memref<2x128xf32, #tpu.memory_space<vmem>>, vector<1x16xf32>,
    %swap3A_1226 = vector.shape_cast %swap3A_1225 : vector<1x16xf32> to vector<16xf32>
    %swap3A_1227 = vector.shape_cast %convert_element_type3A_1221 : vector<16xf32> to vector<1x16xf32>
    tpu.vector_store %arg13[%swap3A_1223, %swap3A_1224], %swap3A_1227 {strides = array<i32>} : memref<2x128xf32, #tpu.memory_space<vmem>>, vector<1x16xf32>,
    %and3A_1228 = arith.constant 1 : i32
    %and3A_1229 = vector.broadcast %and3A_1228 : i32 to vector<16xi32>
    %and3A_1230 = arith.andi %get3A_1199, %and3A_1229 : vector<16xi32>
    %convert_element_type3A_1231 = arith.sitofp %and3A_1230 : vector<16xi32> to vector<16xf32>
    %swap3A_1232 = arith.constant 0 : i32
    %swap3A_1233 = arith.index_cast %swap3A_1232 : i32 to index
    %swap3A_1234 = arith.constant 112 : index
    %swap3A_1235 = tpu.vector_load %arg14[%swap3A_1233, %swap3A_1234] {strides = array<i32>} : memref<2x128xf32, #tpu.memory_space<vmem>>, vector<1x16xf32>,
    %swap3A_1236 = vector.shape_cast %swap3A_1235 : vector<1x16xf32> to vector<16xf32>
    %swap3A_1237 = vector.shape_cast %convert_element_type3A_1231 : vector<16xf32> to vector<1x16xf32>
    tpu.vector_store %arg14[%swap3A_1233, %swap3A_1234], %swap3A_1237 {strides = array<i32>} : memref<2x128xf32, #tpu.memory_space<vmem>>, vector<1x16xf32>,
    %get3A_1238 = arith.constant 3 : i32
    %get3A_1239 = arith.index_cast %get3A_1238 : i32 to index
    %get3A_1240 = arith.constant 0 : index
    %get3A_1241 = tpu.vector_load %arg9[%get3A_1239, %get3A_1240] {strides = array<i32>} : memref<4x128xi32, #tpu.memory_space<vmem>>, vector<1x16xi32>,
    %get3A_1242 = vector.shape_cast %get3A_1241 : vector<1x16xi32> to vector<16xi32>
    %get3A_1243 = arith.constant 3 : i32
    %get3A_1244 = arith.index_cast %get3A_1243 : i32 to index
    %get3A_1245 = arith.constant 0 : index
    %get3A_1246 = tpu.vector_load %arg10[%get3A_1244, %get3A_1245] {strides = array<i32>} : memref<4x128xi32, #tpu.memory_space<vmem>>, vector<1x16xi32>,
    %get3A_1247 = vector.shape_cast %get3A_1246 : vector<1x16xi32> to vector<16xi32>
    %shift_right_logical3A_1248 = arith.constant 1 : i32
    %shift_right_logical3A_1249 = vector.broadcast %shift_right_logical3A_1248 : i32 to vector<16xi32>
    %shift_right_logical3A_1250 = arith.shrui %get3A_1242, %shift_right_logical3A_1249 : vector<16xi32>
    %swap3A_1251 = arith.constant 1 : i32
    %swap3A_1252 = arith.index_cast %swap3A_1251 : i32 to index
    %swap3A_1253 = arith.constant 0 : index
    %swap3A_1254 = tpu.vector_load %arg11[%swap3A_1252, %swap3A_1253] {strides = array<i32>} : memref<2x128xi32, #tpu.memory_space<vmem>>, vector<1x16xi32>,
    %swap3A_1255 = vector.shape_cast %swap3A_1254 : vector<1x16xi32> to vector<16xi32>
    %swap3A_1256 = vector.shape_cast %shift_right_logical3A_1250 : vector<16xi32> to vector<1x16xi32>
    tpu.vector_store %arg11[%swap3A_1252, %swap3A_1253], %swap3A_1256 {strides = array<i32>} : memref<2x128xi32, #tpu.memory_space<vmem>>, vector<1x16xi32>,
    %shift_right_logical3A_1257 = arith.constant 1 : i32
    %shift_right_logical3A_1258 = vector.broadcast %shift_right_logical3A_1257 : i32 to vector<16xi32>
    %shift_right_logical3A_1259 = arith.shrui %get3A_1247, %shift_right_logical3A_1258 : vector<16xi32>
    %swap3A_1260 = arith.constant 1 : i32
    %swap3A_1261 = arith.index_cast %swap3A_1260 : i32 to index
    %swap3A_1262 = arith.constant 0 : index
    %swap3A_1263 = tpu.vector_load %arg12[%swap3A_1261, %swap3A_1262] {strides = array<i32>} : memref<2x128xi32, #tpu.memory_space<vmem>>, vector<1x16xi32>,
    %swap3A_1264 = vector.shape_cast %swap3A_1263 : vector<1x16xi32> to vector<16xi32>
    %swap3A_1265 = vector.shape_cast %shift_right_logical3A_1259 : vector<16xi32> to vector<1x16xi32>
    tpu.vector_store %arg12[%swap3A_1261, %swap3A_1262], %swap3A_1265 {strides = array<i32>} : memref<2x128xi32, #tpu.memory_space<vmem>>, vector<1x16xi32>,
    %and3A_1266 = arith.constant 1 : i32
    %and3A_1267 = vector.broadcast %and3A_1266 : i32 to vector<16xi32>
    %and3A_1268 = arith.andi %get3A_1242, %and3A_1267 : vector<16xi32>
    %convert_element_type3A_1269 = arith.sitofp %and3A_1268 : vector<16xi32> to vector<16xf32>
    %swap3A_1270 = arith.constant 1 : i32
    %swap3A_1271 = arith.index_cast %swap3A_1270 : i32 to index
    %swap3A_1272 = arith.constant 0 : index
    %swap3A_1273 = tpu.vector_load %arg13[%swap3A_1271, %swap3A_1272] {strides = array<i32>} : memref<2x128xf32, #tpu.memory_space<vmem>>, vector<1x16xf32>,
    %swap3A_1274 = vector.shape_cast %swap3A_1273 : vector<1x16xf32> to vector<16xf32>
    %swap3A_1275 = vector.shape_cast %convert_element_type3A_1269 : vector<16xf32> to vector<1x16xf32>
    tpu.vector_store %arg13[%swap3A_1271, %swap3A_1272], %swap3A_1275 {strides = array<i32>} : memref<2x128xf32, #tpu.memory_space<vmem>>, vector<1x16xf32>,
    %and3A_1276 = arith.constant 1 : i32
    %and3A_1277 = vector.broadcast %and3A_1276 : i32 to vector<16xi32>
    %and3A_1278 = arith.andi %get3A_1247, %and3A_1277 : vector<16xi32>
    %convert_element_type3A_1279 = arith.sitofp %and3A_1278 : vector<16xi32> to vector<16xf32>
    %swap3A_1280 = arith.constant 1 : i32
    %swap3A_1281 = arith.index_cast %swap3A_1280 : i32 to index
    %swap3A_1282 = arith.constant 0 : index
    %swap3A_1283 = tpu.vector_load %arg14[%swap3A_1281, %swap3A_1282] {strides = array<i32>} : memref<2x128xf32, #tpu.memory_space<vmem>>, vector<1x16xf32>,
    %swap3A_1284 = vector.shape_cast %swap3A_1283 : vector<1x16xf32> to vector<16xf32>
    %swap3A_1285 = vector.shape_cast %convert_element_type3A_1279 : vector<16xf32> to vector<1x16xf32>
    tpu.vector_store %arg14[%swap3A_1281, %swap3A_1282], %swap3A_1285 {strides = array<i32>} : memref<2x128xf32, #tpu.memory_space<vmem>>, vector<1x16xf32>,
    %get3A_1286 = arith.constant 3 : i32
    %get3A_1287 = arith.index_cast %get3A_1286 : i32 to index
    %get3A_1288 = arith.constant 16 : index
    %get3A_1289 = tpu.vector_load %arg9[%get3A_1287, %get3A_1288] {strides = array<i32>} : memref<4x128xi32, #tpu.memory_space<vmem>>, vector<1x16xi32>,
    %get3A_1290 = vector.shape_cast %get3A_1289 : vector<1x16xi32> to vector<16xi32>
    %get3A_1291 = arith.constant 3 : i32
    %get3A_1292 = arith.index_cast %get3A_1291 : i32 to index
    %get3A_1293 = arith.constant 16 : index
    %get3A_1294 = tpu.vector_load %arg10[%get3A_1292, %get3A_1293] {strides = array<i32>} : memref<4x128xi32, #tpu.memory_space<vmem>>, vector<1x16xi32>,
    %get3A_1295 = vector.shape_cast %get3A_1294 : vector<1x16xi32> to vector<16xi32>
    %shift_right_logical3A_1296 = arith.constant 1 : i32
    %shift_right_logical3A_1297 = vector.broadcast %shift_right_logical3A_1296 : i32 to vector<16xi32>
    %shift_right_logical3A_1298 = arith.shrui %get3A_1290, %shift_right_logical3A_1297 : vector<16xi32>
    %swap3A_1299 = arith.constant 1 : i32
    %swap3A_1300 = arith.index_cast %swap3A_1299 : i32 to index
    %swap3A_1301 = arith.constant 16 : index
    %swap3A_1302 = tpu.vector_load %arg11[%swap3A_1300, %swap3A_1301] {strides = array<i32>} : memref<2x128xi32, #tpu.memory_space<vmem>>, vector<1x16xi32>,
    %swap3A_1303 = vector.shape_cast %swap3A_1302 : vector<1x16xi32> to vector<16xi32>
    %swap3A_1304 = vector.shape_cast %shift_right_logical3A_1298 : vector<16xi32> to vector<1x16xi32>
    tpu.vector_store %arg11[%swap3A_1300, %swap3A_1301], %swap3A_1304 {strides = array<i32>} : memref<2x128xi32, #tpu.memory_space<vmem>>, vector<1x16xi32>,
    %shift_right_logical3A_1305 = arith.constant 1 : i32
    %shift_right_logical3A_1306 = vector.broadcast %shift_right_logical3A_1305 : i32 to vector<16xi32>
    %shift_right_logical3A_1307 = arith.shrui %get3A_1295, %shift_right_logical3A_1306 : vector<16xi32>
    %swap3A_1308 = arith.constant 1 : i32
    %swap3A_1309 = arith.index_cast %swap3A_1308 : i32 to index
    %swap3A_1310 = arith.constant 16 : index
    %swap3A_1311 = tpu.vector_load %arg12[%swap3A_1309, %swap3A_1310] {strides = array<i32>} : memref<2x128xi32, #tpu.memory_space<vmem>>, vector<1x16xi32>,
    %swap3A_1312 = vector.shape_cast %swap3A_1311 : vector<1x16xi32> to vector<16xi32>
    %swap3A_1313 = vector.shape_cast %shift_right_logical3A_1307 : vector<16xi32> to vector<1x16xi32>
    tpu.vector_store %arg12[%swap3A_1309, %swap3A_1310], %swap3A_1313 {strides = array<i32>} : memref<2x128xi32, #tpu.memory_space<vmem>>, vector<1x16xi32>,
    %and3A_1314 = arith.constant 1 : i32
    %and3A_1315 = vector.broadcast %and3A_1314 : i32 to vector<16xi32>
    %and3A_1316 = arith.andi %get3A_1290, %and3A_1315 : vector<16xi32>
    %convert_element_type3A_1317 = arith.sitofp %and3A_1316 : vector<16xi32> to vector<16xf32>
    %swap3A_1318 = arith.constant 1 : i32
    %swap3A_1319 = arith.index_cast %swap3A_1318 : i32 to index
    %swap3A_1320 = arith.constant 16 : index
    %swap3A_1321 = tpu.vector_load %arg13[%swap3A_1319, %swap3A_1320] {strides = array<i32>} : memref<2x128xf32, #tpu.memory_space<vmem>>, vector<1x16xf32>,
    %swap3A_1322 = vector.shape_cast %swap3A_1321 : vector<1x16xf32> to vector<16xf32>
    %swap3A_1323 = vector.shape_cast %convert_element_type3A_1317 : vector<16xf32> to vector<1x16xf32>
    tpu.vector_store %arg13[%swap3A_1319, %swap3A_1320], %swap3A_1323 {strides = array<i32>} : memref<2x128xf32, #tpu.memory_space<vmem>>, vector<1x16xf32>,
    %and3A_1324 = arith.constant 1 : i32
    %and3A_1325 = vector.broadcast %and3A_1324 : i32 to vector<16xi32>
    %and3A_1326 = arith.andi %get3A_1295, %and3A_1325 : vector<16xi32>
    %convert_element_type3A_1327 = arith.sitofp %and3A_1326 : vector<16xi32> to vector<16xf32>
    %swap3A_1328 = arith.constant 1 : i32
    %swap3A_1329 = arith.index_cast %swap3A_1328 : i32 to index
    %swap3A_1330 = arith.constant 16 : index
    %swap3A_1331 = tpu.vector_load %arg14[%swap3A_1329, %swap3A_1330] {strides = array<i32>} : memref<2x128xf32, #tpu.memory_space<vmem>>, vector<1x16xf32>,
    %swap3A_1332 = vector.shape_cast %swap3A_1331 : vector<1x16xf32> to vector<16xf32>
    %swap3A_1333 = vector.shape_cast %convert_element_type3A_1327 : vector<16xf32> to vector<1x16xf32>
    tpu.vector_store %arg14[%swap3A_1329, %swap3A_1330], %swap3A_1333 {strides = array<i32>} : memref<2x128xf32, #tpu.memory_space<vmem>>, vector<1x16xf32>,
    %get3A_1334 = arith.constant 3 : i32
    %get3A_1335 = arith.index_cast %get3A_1334 : i32 to index
    %get3A_1336 = arith.constant 32 : index
    %get3A_1337 = tpu.vector_load %arg9[%get3A_1335, %get3A_1336] {strides = array<i32>} : memref<4x128xi32, #tpu.memory_space<vmem>>, vector<1x16xi32>,
    %get3A_1338 = vector.shape_cast %get3A_1337 : vector<1x16xi32> to vector<16xi32>
    %get3A_1339 = arith.constant 3 : i32
    %get3A_1340 = arith.index_cast %get3A_1339 : i32 to index
    %get3A_1341 = arith.constant 32 : index
    %get3A_1342 = tpu.vector_load %arg10[%get3A_1340, %get3A_1341] {strides = array<i32>} : memref<4x128xi32, #tpu.memory_space<vmem>>, vector<1x16xi32>,
    %get3A_1343 = vector.shape_cast %get3A_1342 : vector<1x16xi32> to vector<16xi32>
    %shift_right_logical3A_1344 = arith.constant 1 : i32
    %shift_right_logical3A_1345 = vector.broadcast %shift_right_logical3A_1344 : i32 to vector<16xi32>
    %shift_right_logical3A_1346 = arith.shrui %get3A_1338, %shift_right_logical3A_1345 : vector<16xi32>
    %swap3A_1347 = arith.constant 1 : i32
    %swap3A_1348 = arith.index_cast %swap3A_1347 : i32 to index
    %swap3A_1349 = arith.constant 32 : index
    %swap3A_1350 = tpu.vector_load %arg11[%swap3A_1348, %swap3A_1349] {strides = array<i32>} : memref<2x128xi32, #tpu.memory_space<vmem>>, vector<1x16xi32>,
    %swap3A_1351 = vector.shape_cast %swap3A_1350 : vector<1x16xi32> to vector<16xi32>
    %swap3A_1352 = vector.shape_cast %shift_right_logical3A_1346 : vector<16xi32> to vector<1x16xi32>
    tpu.vector_store %arg11[%swap3A_1348, %swap3A_1349], %swap3A_1352 {strides = array<i32>} : memref<2x128xi32, #tpu.memory_space<vmem>>, vector<1x16xi32>,
    %shift_right_logical3A_1353 = arith.constant 1 : i32
    %shift_right_logical3A_1354 = vector.broadcast %shift_right_logical3A_1353 : i32 to vector<16xi32>
    %shift_right_logical3A_1355 = arith.shrui %get3A_1343, %shift_right_logical3A_1354 : vector<16xi32>
    %swap3A_1356 = arith.constant 1 : i32
    %swap3A_1357 = arith.index_cast %swap3A_1356 : i32 to index
    %swap3A_1358 = arith.constant 32 : index
    %swap3A_1359 = tpu.vector_load %arg12[%swap3A_1357, %swap3A_1358] {strides = array<i32>} : memref<2x128xi32, #tpu.memory_space<vmem>>, vector<1x16xi32>,
    %swap3A_1360 = vector.shape_cast %swap3A_1359 : vector<1x16xi32> to vector<16xi32>
    %swap3A_1361 = vector.shape_cast %shift_right_logical3A_1355 : vector<16xi32> to vector<1x16xi32>
    tpu.vector_store %arg12[%swap3A_1357, %swap3A_1358], %swap3A_1361 {strides = array<i32>} : memref<2x128xi32, #tpu.memory_space<vmem>>, vector<1x16xi32>,
    %and3A_1362 = arith.constant 1 : i32
    %and3A_1363 = vector.broadcast %and3A_1362 : i32 to vector<16xi32>
    %and3A_1364 = arith.andi %get3A_1338, %and3A_1363 : vector<16xi32>
    %convert_element_type3A_1365 = arith.sitofp %and3A_1364 : vector<16xi32> to vector<16xf32>
    %swap3A_1366 = arith.constant 1 : i32
    %swap3A_1367 = arith.index_cast %swap3A_1366 : i32 to index
    %swap3A_1368 = arith.constant 32 : index
    %swap3A_1369 = tpu.vector_load %arg13[%swap3A_1367, %swap3A_1368] {strides = array<i32>} : memref<2x128xf32, #tpu.memory_space<vmem>>, vector<1x16xf32>,
    %swap3A_1370 = vector.shape_cast %swap3A_1369 : vector<1x16xf32> to vector<16xf32>
    %swap3A_1371 = vector.shape_cast %convert_element_type3A_1365 : vector<16xf32> to vector<1x16xf32>
    tpu.vector_store %arg13[%swap3A_1367, %swap3A_1368], %swap3A_1371 {strides = array<i32>} : memref<2x128xf32, #tpu.memory_space<vmem>>, vector<1x16xf32>,
    %and3A_1372 = arith.constant 1 : i32
    %and3A_1373 = vector.broadcast %and3A_1372 : i32 to vector<16xi32>
    %and3A_1374 = arith.andi %get3A_1343, %and3A_1373 : vector<16xi32>
    %convert_element_type3A_1375 = arith.sitofp %and3A_1374 : vector<16xi32> to vector<16xf32>
    %swap3A_1376 = arith.constant 1 : i32
    %swap3A_1377 = arith.index_cast %swap3A_1376 : i32 to index
    %swap3A_1378 = arith.constant 32 : index
    %swap3A_1379 = tpu.vector_load %arg14[%swap3A_1377, %swap3A_1378] {strides = array<i32>} : memref<2x128xf32, #tpu.memory_space<vmem>>, vector<1x16xf32>,
    %swap3A_1380 = vector.shape_cast %swap3A_1379 : vector<1x16xf32> to vector<16xf32>
    %swap3A_1381 = vector.shape_cast %convert_element_type3A_1375 : vector<16xf32> to vector<1x16xf32>
    tpu.vector_store %arg14[%swap3A_1377, %swap3A_1378], %swap3A_1381 {strides = array<i32>} : memref<2x128xf32, #tpu.memory_space<vmem>>, vector<1x16xf32>,
    %get3A_1382 = arith.constant 3 : i32
    %get3A_1383 = arith.index_cast %get3A_1382 : i32 to index
    %get3A_1384 = arith.constant 48 : index
    %get3A_1385 = tpu.vector_load %arg9[%get3A_1383, %get3A_1384] {strides = array<i32>} : memref<4x128xi32, #tpu.memory_space<vmem>>, vector<1x16xi32>,
    %get3A_1386 = vector.shape_cast %get3A_1385 : vector<1x16xi32> to vector<16xi32>
    %get3A_1387 = arith.constant 3 : i32
    %get3A_1388 = arith.index_cast %get3A_1387 : i32 to index
    %get3A_1389 = arith.constant 48 : index
    %get3A_1390 = tpu.vector_load %arg10[%get3A_1388, %get3A_1389] {strides = array<i32>} : memref<4x128xi32, #tpu.memory_space<vmem>>, vector<1x16xi32>,
    %get3A_1391 = vector.shape_cast %get3A_1390 : vector<1x16xi32> to vector<16xi32>
    %shift_right_logical3A_1392 = arith.constant 1 : i32
    %shift_right_logical3A_1393 = vector.broadcast %shift_right_logical3A_1392 : i32 to vector<16xi32>
    %shift_right_logical3A_1394 = arith.shrui %get3A_1386, %shift_right_logical3A_1393 : vector<16xi32>
    %swap3A_1395 = arith.constant 1 : i32
    %swap3A_1396 = arith.index_cast %swap3A_1395 : i32 to index
    %swap3A_1397 = arith.constant 48 : index
    %swap3A_1398 = tpu.vector_load %arg11[%swap3A_1396, %swap3A_1397] {strides = array<i32>} : memref<2x128xi32, #tpu.memory_space<vmem>>, vector<1x16xi32>,
    %swap3A_1399 = vector.shape_cast %swap3A_1398 : vector<1x16xi32> to vector<16xi32>
    %swap3A_1400 = vector.shape_cast %shift_right_logical3A_1394 : vector<16xi32> to vector<1x16xi32>
    tpu.vector_store %arg11[%swap3A_1396, %swap3A_1397], %swap3A_1400 {strides = array<i32>} : memref<2x128xi32, #tpu.memory_space<vmem>>, vector<1x16xi32>,
    %shift_right_logical3A_1401 = arith.constant 1 : i32
    %shift_right_logical3A_1402 = vector.broadcast %shift_right_logical3A_1401 : i32 to vector<16xi32>
    %shift_right_logical3A_1403 = arith.shrui %get3A_1391, %shift_right_logical3A_1402 : vector<16xi32>
    %swap3A_1404 = arith.constant 1 : i32
    %swap3A_1405 = arith.index_cast %swap3A_1404 : i32 to index
    %swap3A_1406 = arith.constant 48 : index
    %swap3A_1407 = tpu.vector_load %arg12[%swap3A_1405, %swap3A_1406] {strides = array<i32>} : memref<2x128xi32, #tpu.memory_space<vmem>>, vector<1x16xi32>,
    %swap3A_1408 = vector.shape_cast %swap3A_1407 : vector<1x16xi32> to vector<16xi32>
    %swap3A_1409 = vector.shape_cast %shift_right_logical3A_1403 : vector<16xi32> to vector<1x16xi32>
    tpu.vector_store %arg12[%swap3A_1405, %swap3A_1406], %swap3A_1409 {strides = array<i32>} : memref<2x128xi32, #tpu.memory_space<vmem>>, vector<1x16xi32>,
    %and3A_1410 = arith.constant 1 : i32
    %and3A_1411 = vector.broadcast %and3A_1410 : i32 to vector<16xi32>
    %and3A_1412 = arith.andi %get3A_1386, %and3A_1411 : vector<16xi32>
    %convert_element_type3A_1413 = arith.sitofp %and3A_1412 : vector<16xi32> to vector<16xf32>
    %swap3A_1414 = arith.constant 1 : i32
    %swap3A_1415 = arith.index_cast %swap3A_1414 : i32 to index
    %swap3A_1416 = arith.constant 48 : index
    %swap3A_1417 = tpu.vector_load %arg13[%swap3A_1415, %swap3A_1416] {strides = array<i32>} : memref<2x128xf32, #tpu.memory_space<vmem>>, vector<1x16xf32>,
    %swap3A_1418 = vector.shape_cast %swap3A_1417 : vector<1x16xf32> to vector<16xf32>
    %swap3A_1419 = vector.shape_cast %convert_element_type3A_1413 : vector<16xf32> to vector<1x16xf32>
    tpu.vector_store %arg13[%swap3A_1415, %swap3A_1416], %swap3A_1419 {strides = array<i32>} : memref<2x128xf32, #tpu.memory_space<vmem>>, vector<1x16xf32>,
    %and3A_1420 = arith.constant 1 : i32
    %and3A_1421 = vector.broadcast %and3A_1420 : i32 to vector<16xi32>
    %and3A_1422 = arith.andi %get3A_1391, %and3A_1421 : vector<16xi32>
    %convert_element_type3A_1423 = arith.sitofp %and3A_1422 : vector<16xi32> to vector<16xf32>
    %swap3A_1424 = arith.constant 1 : i32
    %swap3A_1425 = arith.index_cast %swap3A_1424 : i32 to index
    %swap3A_1426 = arith.constant 48 : index
    %swap3A_1427 = tpu.vector_load %arg14[%swap3A_1425, %swap3A_1426] {strides = array<i32>} : memref<2x128xf32, #tpu.memory_space<vmem>>, vector<1x16xf32>,
    %swap3A_1428 = vector.shape_cast %swap3A_1427 : vector<1x16xf32> to vector<16xf32>
    %swap3A_1429 = vector.shape_cast %convert_element_type3A_1423 : vector<16xf32> to vector<1x16xf32>
    tpu.vector_store %arg14[%swap3A_1425, %swap3A_1426], %swap3A_1429 {strides = array<i32>} : memref<2x128xf32, #tpu.memory_space<vmem>>, vector<1x16xf32>,
    %get3A_1430 = arith.constant 3 : i32
    %get3A_1431 = arith.index_cast %get3A_1430 : i32 to index
    %get3A_1432 = arith.constant 64 : index
    %get3A_1433 = tpu.vector_load %arg9[%get3A_1431, %get3A_1432] {strides = array<i32>} : memref<4x128xi32, #tpu.memory_space<vmem>>, vector<1x16xi32>,
    %get3A_1434 = vector.shape_cast %get3A_1433 : vector<1x16xi32> to vector<16xi32>
    %get3A_1435 = arith.constant 3 : i32
    %get3A_1436 = arith.index_cast %get3A_1435 : i32 to index
    %get3A_1437 = arith.constant 64 : index
    %get3A_1438 = tpu.vector_load %arg10[%get3A_1436, %get3A_1437] {strides = array<i32>} : memref<4x128xi32, #tpu.memory_space<vmem>>, vector<1x16xi32>,
    %get3A_1439 = vector.shape_cast %get3A_1438 : vector<1x16xi32> to vector<16xi32>
    %shift_right_logical3A_1440 = arith.constant 1 : i32
    %shift_right_logical3A_1441 = vector.broadcast %shift_right_logical3A_1440 : i32 to vector<16xi32>
    %shift_right_logical3A_1442 = arith.shrui %get3A_1434, %shift_right_logical3A_1441 : vector<16xi32>
    %swap3A_1443 = arith.constant 1 : i32
    %swap3A_1444 = arith.index_cast %swap3A_1443 : i32 to index
    %swap3A_1445 = arith.constant 64 : index
    %swap3A_1446 = tpu.vector_load %arg11[%swap3A_1444, %swap3A_1445] {strides = array<i32>} : memref<2x128xi32, #tpu.memory_space<vmem>>, vector<1x16xi32>,
    %swap3A_1447 = vector.shape_cast %swap3A_1446 : vector<1x16xi32> to vector<16xi32>
    %swap3A_1448 = vector.shape_cast %shift_right_logical3A_1442 : vector<16xi32> to vector<1x16xi32>
    tpu.vector_store %arg11[%swap3A_1444, %swap3A_1445], %swap3A_1448 {strides = array<i32>} : memref<2x128xi32, #tpu.memory_space<vmem>>, vector<1x16xi32>,
    %shift_right_logical3A_1449 = arith.constant 1 : i32
    %shift_right_logical3A_1450 = vector.broadcast %shift_right_logical3A_1449 : i32 to vector<16xi32>
    %shift_right_logical3A_1451 = arith.shrui %get3A_1439, %shift_right_logical3A_1450 : vector<16xi32>
    %swap3A_1452 = arith.constant 1 : i32
    %swap3A_1453 = arith.index_cast %swap3A_1452 : i32 to index
    %swap3A_1454 = arith.constant 64 : index
    %swap3A_1455 = tpu.vector_load %arg12[%swap3A_1453, %swap3A_1454] {strides = array<i32>} : memref<2x128xi32, #tpu.memory_space<vmem>>, vector<1x16xi32>,
    %swap3A_1456 = vector.shape_cast %swap3A_1455 : vector<1x16xi32> to vector<16xi32>
    %swap3A_1457 = vector.shape_cast %shift_right_logical3A_1451 : vector<16xi32> to vector<1x16xi32>
    tpu.vector_store %arg12[%swap3A_1453, %swap3A_1454], %swap3A_1457 {strides = array<i32>} : memref<2x128xi32, #tpu.memory_space<vmem>>, vector<1x16xi32>,
    %and3A_1458 = arith.constant 1 : i32
    %and3A_1459 = vector.broadcast %and3A_1458 : i32 to vector<16xi32>
    %and3A_1460 = arith.andi %get3A_1434, %and3A_1459 : vector<16xi32>
    %convert_element_type3A_1461 = arith.sitofp %and3A_1460 : vector<16xi32> to vector<16xf32>
    %swap3A_1462 = arith.constant 1 : i32
    %swap3A_1463 = arith.index_cast %swap3A_1462 : i32 to index
    %swap3A_1464 = arith.constant 64 : index
    %swap3A_1465 = tpu.vector_load %arg13[%swap3A_1463, %swap3A_1464] {strides = array<i32>} : memref<2x128xf32, #tpu.memory_space<vmem>>, vector<1x16xf32>,
    %swap3A_1466 = vector.shape_cast %swap3A_1465 : vector<1x16xf32> to vector<16xf32>
    %swap3A_1467 = vector.shape_cast %convert_element_type3A_1461 : vector<16xf32> to vector<1x16xf32>
    tpu.vector_store %arg13[%swap3A_1463, %swap3A_1464], %swap3A_1467 {strides = array<i32>} : memref<2x128xf32, #tpu.memory_space<vmem>>, vector<1x16xf32>,
    %and3A_1468 = arith.constant 1 : i32
    %and3A_1469 = vector.broadcast %and3A_1468 : i32 to vector<16xi32>
    %and3A_1470 = arith.andi %get3A_1439, %and3A_1469 : vector<16xi32>
    %convert_element_type3A_1471 = arith.sitofp %and3A_1470 : vector<16xi32> to vector<16xf32>
    %swap3A_1472 = arith.constant 1 : i32
    %swap3A_1473 = arith.index_cast %swap3A_1472 : i32 to index
    %swap3A_1474 = arith.constant 64 : index
    %swap3A_1475 = tpu.vector_load %arg14[%swap3A_1473, %swap3A_1474] {strides = array<i32>} : memref<2x128xf32, #tpu.memory_space<vmem>>, vector<1x16xf32>,
    %swap3A_1476 = vector.shape_cast %swap3A_1475 : vector<1x16xf32> to vector<16xf32>
    %swap3A_1477 = vector.shape_cast %convert_element_type3A_1471 : vector<16xf32> to vector<1x16xf32>
    tpu.vector_store %arg14[%swap3A_1473, %swap3A_1474], %swap3A_1477 {strides = array<i32>} : memref<2x128xf32, #tpu.memory_space<vmem>>, vector<1x16xf32>,
    %get3A_1478 = arith.constant 3 : i32
    %get3A_1479 = arith.index_cast %get3A_1478 : i32 to index
    %get3A_1480 = arith.constant 80 : index
    %get3A_1481 = tpu.vector_load %arg9[%get3A_1479, %get3A_1480] {strides = array<i32>} : memref<4x128xi32, #tpu.memory_space<vmem>>, vector<1x16xi32>,
    %get3A_1482 = vector.shape_cast %get3A_1481 : vector<1x16xi32> to vector<16xi32>
    %get3A_1483 = arith.constant 3 : i32
    %get3A_1484 = arith.index_cast %get3A_1483 : i32 to index
    %get3A_1485 = arith.constant 80 : index
    %get3A_1486 = tpu.vector_load %arg10[%get3A_1484, %get3A_1485] {strides = array<i32>} : memref<4x128xi32, #tpu.memory_space<vmem>>, vector<1x16xi32>,
    %get3A_1487 = vector.shape_cast %get3A_1486 : vector<1x16xi32> to vector<16xi32>
    %shift_right_logical3A_1488 = arith.constant 1 : i32
    %shift_right_logical3A_1489 = vector.broadcast %shift_right_logical3A_1488 : i32 to vector<16xi32>
    %shift_right_logical3A_1490 = arith.shrui %get3A_1482, %shift_right_logical3A_1489 : vector<16xi32>
    %swap3A_1491 = arith.constant 1 : i32
    %swap3A_1492 = arith.index_cast %swap3A_1491 : i32 to index
    %swap3A_1493 = arith.constant 80 : index
    %swap3A_1494 = tpu.vector_load %arg11[%swap3A_1492, %swap3A_1493] {strides = array<i32>} : memref<2x128xi32, #tpu.memory_space<vmem>>, vector<1x16xi32>,
    %swap3A_1495 = vector.shape_cast %swap3A_1494 : vector<1x16xi32> to vector<16xi32>
    %swap3A_1496 = vector.shape_cast %shift_right_logical3A_1490 : vector<16xi32> to vector<1x16xi32>
    tpu.vector_store %arg11[%swap3A_1492, %swap3A_1493], %swap3A_1496 {strides = array<i32>} : memref<2x128xi32, #tpu.memory_space<vmem>>, vector<1x16xi32>,
    %shift_right_logical3A_1497 = arith.constant 1 : i32
    %shift_right_logical3A_1498 = vector.broadcast %shift_right_logical3A_1497 : i32 to vector<16xi32>
    %shift_right_logical3A_1499 = arith.shrui %get3A_1487, %shift_right_logical3A_1498 : vector<16xi32>
    %swap3A_1500 = arith.constant 1 : i32
    %swap3A_1501 = arith.index_cast %swap3A_1500 : i32 to index
    %swap3A_1502 = arith.constant 80 : index
    %swap3A_1503 = tpu.vector_load %arg12[%swap3A_1501, %swap3A_1502] {strides = array<i32>} : memref<2x128xi32, #tpu.memory_space<vmem>>, vector<1x16xi32>,
    %swap3A_1504 = vector.shape_cast %swap3A_1503 : vector<1x16xi32> to vector<16xi32>
    %swap3A_1505 = vector.shape_cast %shift_right_logical3A_1499 : vector<16xi32> to vector<1x16xi32>
    tpu.vector_store %arg12[%swap3A_1501, %swap3A_1502], %swap3A_1505 {strides = array<i32>} : memref<2x128xi32, #tpu.memory_space<vmem>>, vector<1x16xi32>,
    %and3A_1506 = arith.constant 1 : i32
    %and3A_1507 = vector.broadcast %and3A_1506 : i32 to vector<16xi32>
    %and3A_1508 = arith.andi %get3A_1482, %and3A_1507 : vector<16xi32>
    %convert_element_type3A_1509 = arith.sitofp %and3A_1508 : vector<16xi32> to vector<16xf32>
    %swap3A_1510 = arith.constant 1 : i32
    %swap3A_1511 = arith.index_cast %swap3A_1510 : i32 to index
    %swap3A_1512 = arith.constant 80 : index
    %swap3A_1513 = tpu.vector_load %arg13[%swap3A_1511, %swap3A_1512] {strides = array<i32>} : memref<2x128xf32, #tpu.memory_space<vmem>>, vector<1x16xf32>,
    %swap3A_1514 = vector.shape_cast %swap3A_1513 : vector<1x16xf32> to vector<16xf32>
    %swap3A_1515 = vector.shape_cast %convert_element_type3A_1509 : vector<16xf32> to vector<1x16xf32>
    tpu.vector_store %arg13[%swap3A_1511, %swap3A_1512], %swap3A_1515 {strides = array<i32>} : memref<2x128xf32, #tpu.memory_space<vmem>>, vector<1x16xf32>,
    %and3A_1516 = arith.constant 1 : i32
    %and3A_1517 = vector.broadcast %and3A_1516 : i32 to vector<16xi32>
    %and3A_1518 = arith.andi %get3A_1487, %and3A_1517 : vector<16xi32>
    %convert_element_type3A_1519 = arith.sitofp %and3A_1518 : vector<16xi32> to vector<16xf32>
    %swap3A_1520 = arith.constant 1 : i32
    %swap3A_1521 = arith.index_cast %swap3A_1520 : i32 to index
    %swap3A_1522 = arith.constant 80 : index
    %swap3A_1523 = tpu.vector_load %arg14[%swap3A_1521, %swap3A_1522] {strides = array<i32>} : memref<2x128xf32, #tpu.memory_space<vmem>>, vector<1x16xf32>,
    %swap3A_1524 = vector.shape_cast %swap3A_1523 : vector<1x16xf32> to vector<16xf32>
    %swap3A_1525 = vector.shape_cast %convert_element_type3A_1519 : vector<16xf32> to vector<1x16xf32>
    tpu.vector_store %arg14[%swap3A_1521, %swap3A_1522], %swap3A_1525 {strides = array<i32>} : memref<2x128xf32, #tpu.memory_space<vmem>>, vector<1x16xf32>,
    %get3A_1526 = arith.constant 3 : i32
    %get3A_1527 = arith.index_cast %get3A_1526 : i32 to index
    %get3A_1528 = arith.constant 96 : index
    %get3A_1529 = tpu.vector_load %arg9[%get3A_1527, %get3A_1528] {strides = array<i32>} : memref<4x128xi32, #tpu.memory_space<vmem>>, vector<1x16xi32>,
    %get3A_1530 = vector.shape_cast %get3A_1529 : vector<1x16xi32> to vector<16xi32>
    %get3A_1531 = arith.constant 3 : i32
    %get3A_1532 = arith.index_cast %get3A_1531 : i32 to index
    %get3A_1533 = arith.constant 96 : index
    %get3A_1534 = tpu.vector_load %arg10[%get3A_1532, %get3A_1533] {strides = array<i32>} : memref<4x128xi32, #tpu.memory_space<vmem>>, vector<1x16xi32>,
    %get3A_1535 = vector.shape_cast %get3A_1534 : vector<1x16xi32> to vector<16xi32>
    %shift_right_logical3A_1536 = arith.constant 1 : i32
    %shift_right_logical3A_1537 = vector.broadcast %shift_right_logical3A_1536 : i32 to vector<16xi32>
    %shift_right_logical3A_1538 = arith.shrui %get3A_1530, %shift_right_logical3A_1537 : vector<16xi32>
    %swap3A_1539 = arith.constant 1 : i32
    %swap3A_1540 = arith.index_cast %swap3A_1539 : i32 to index
    %swap3A_1541 = arith.constant 96 : index
    %swap3A_1542 = tpu.vector_load %arg11[%swap3A_1540, %swap3A_1541] {strides = array<i32>} : memref<2x128xi32, #tpu.memory_space<vmem>>, vector<1x16xi32>,
    %swap3A_1543 = vector.shape_cast %swap3A_1542 : vector<1x16xi32> to vector<16xi32>
    %swap3A_1544 = vector.shape_cast %shift_right_logical3A_1538 : vector<16xi32> to vector<1x16xi32>
    tpu.vector_store %arg11[%swap3A_1540, %swap3A_1541], %swap3A_1544 {strides = array<i32>} : memref<2x128xi32, #tpu.memory_space<vmem>>, vector<1x16xi32>,
    %shift_right_logical3A_1545 = arith.constant 1 : i32
    %shift_right_logical3A_1546 = vector.broadcast %shift_right_logical3A_1545 : i32 to vector<16xi32>
    %shift_right_logical3A_1547 = arith.shrui %get3A_1535, %shift_right_logical3A_1546 : vector<16xi32>
    %swap3A_1548 = arith.constant 1 : i32
    %swap3A_1549 = arith.index_cast %swap3A_1548 : i32 to index
    %swap3A_1550 = arith.constant 96 : index
    %swap3A_1551 = tpu.vector_load %arg12[%swap3A_1549, %swap3A_1550] {strides = array<i32>} : memref<2x128xi32, #tpu.memory_space<vmem>>, vector<1x16xi32>,
    %swap3A_1552 = vector.shape_cast %swap3A_1551 : vector<1x16xi32> to vector<16xi32>
    %swap3A_1553 = vector.shape_cast %shift_right_logical3A_1547 : vector<16xi32> to vector<1x16xi32>
    tpu.vector_store %arg12[%swap3A_1549, %swap3A_1550], %swap3A_1553 {strides = array<i32>} : memref<2x128xi32, #tpu.memory_space<vmem>>, vector<1x16xi32>,
    %and3A_1554 = arith.constant 1 : i32
    %and3A_1555 = vector.broadcast %and3A_1554 : i32 to vector<16xi32>
    %and3A_1556 = arith.andi %get3A_1530, %and3A_1555 : vector<16xi32>
    %convert_element_type3A_1557 = arith.sitofp %and3A_1556 : vector<16xi32> to vector<16xf32>
    %swap3A_1558 = arith.constant 1 : i32
    %swap3A_1559 = arith.index_cast %swap3A_1558 : i32 to index
    %swap3A_1560 = arith.constant 96 : index
    %swap3A_1561 = tpu.vector_load %arg13[%swap3A_1559, %swap3A_1560] {strides = array<i32>} : memref<2x128xf32, #tpu.memory_space<vmem>>, vector<1x16xf32>,
    %swap3A_1562 = vector.shape_cast %swap3A_1561 : vector<1x16xf32> to vector<16xf32>
    %swap3A_1563 = vector.shape_cast %convert_element_type3A_1557 : vector<16xf32> to vector<1x16xf32>
    tpu.vector_store %arg13[%swap3A_1559, %swap3A_1560], %swap3A_1563 {strides = array<i32>} : memref<2x128xf32, #tpu.memory_space<vmem>>, vector<1x16xf32>,
    %and3A_1564 = arith.constant 1 : i32
    %and3A_1565 = vector.broadcast %and3A_1564 : i32 to vector<16xi32>
    %and3A_1566 = arith.andi %get3A_1535, %and3A_1565 : vector<16xi32>
    %convert_element_type3A_1567 = arith.sitofp %and3A_1566 : vector<16xi32> to vector<16xf32>
    %swap3A_1568 = arith.constant 1 : i32
    %swap3A_1569 = arith.index_cast %swap3A_1568 : i32 to index
    %swap3A_1570 = arith.constant 96 : index
    %swap3A_1571 = tpu.vector_load %arg14[%swap3A_1569, %swap3A_1570] {strides = array<i32>} : memref<2x128xf32, #tpu.memory_space<vmem>>, vector<1x16xf32>,
    %swap3A_1572 = vector.shape_cast %swap3A_1571 : vector<1x16xf32> to vector<16xf32>
    %swap3A_1573 = vector.shape_cast %convert_element_type3A_1567 : vector<16xf32> to vector<1x16xf32>
    tpu.vector_store %arg14[%swap3A_1569, %swap3A_1570], %swap3A_1573 {strides = array<i32>} : memref<2x128xf32, #tpu.memory_space<vmem>>, vector<1x16xf32>,
    %get3A_1574 = arith.constant 3 : i32
    %get3A_1575 = arith.index_cast %get3A_1574 : i32 to index
    %get3A_1576 = arith.constant 112 : index
    %get3A_1577 = tpu.vector_load %arg9[%get3A_1575, %get3A_1576] {strides = array<i32>} : memref<4x128xi32, #tpu.memory_space<vmem>>, vector<1x16xi32>,
    %get3A_1578 = vector.shape_cast %get3A_1577 : vector<1x16xi32> to vector<16xi32>
    %get3A_1579 = arith.constant 3 : i32
    %get3A_1580 = arith.index_cast %get3A_1579 : i32 to index
    %get3A_1581 = arith.constant 112 : index
    %get3A_1582 = tpu.vector_load %arg10[%get3A_1580, %get3A_1581] {strides = array<i32>} : memref<4x128xi32, #tpu.memory_space<vmem>>, vector<1x16xi32>,
    %get3A_1583 = vector.shape_cast %get3A_1582 : vector<1x16xi32> to vector<16xi32>
    %shift_right_logical3A_1584 = arith.constant 1 : i32
    %shift_right_logical3A_1585 = vector.broadcast %shift_right_logical3A_1584 : i32 to vector<16xi32>
    %shift_right_logical3A_1586 = arith.shrui %get3A_1578, %shift_right_logical3A_1585 : vector<16xi32>
    %swap3A_1587 = arith.constant 1 : i32
    %swap3A_1588 = arith.index_cast %swap3A_1587 : i32 to index
    %swap3A_1589 = arith.constant 112 : index
    %swap3A_1590 = tpu.vector_load %arg11[%swap3A_1588, %swap3A_1589] {strides = array<i32>} : memref<2x128xi32, #tpu.memory_space<vmem>>, vector<1x16xi32>,
    %swap3A_1591 = vector.shape_cast %swap3A_1590 : vector<1x16xi32> to vector<16xi32>
    %swap3A_1592 = vector.shape_cast %shift_right_logical3A_1586 : vector<16xi32> to vector<1x16xi32>
    tpu.vector_store %arg11[%swap3A_1588, %swap3A_1589], %swap3A_1592 {strides = array<i32>} : memref<2x128xi32, #tpu.memory_space<vmem>>, vector<1x16xi32>,
    %shift_right_logical3A_1593 = arith.constant 1 : i32
    %shift_right_logical3A_1594 = vector.broadcast %shift_right_logical3A_1593 : i32 to vector<16xi32>
    %shift_right_logical3A_1595 = arith.shrui %get3A_1583, %shift_right_logical3A_1594 : vector<16xi32>
    %swap3A_1596 = arith.constant 1 : i32
    %swap3A_1597 = arith.index_cast %swap3A_1596 : i32 to index
    %swap3A_1598 = arith.constant 112 : index
    %swap3A_1599 = tpu.vector_load %arg12[%swap3A_1597, %swap3A_1598] {strides = array<i32>} : memref<2x128xi32, #tpu.memory_space<vmem>>, vector<1x16xi32>,
    %swap3A_1600 = vector.shape_cast %swap3A_1599 : vector<1x16xi32> to vector<16xi32>
    %swap3A_1601 = vector.shape_cast %shift_right_logical3A_1595 : vector<16xi32> to vector<1x16xi32>
    tpu.vector_store %arg12[%swap3A_1597, %swap3A_1598], %swap3A_1601 {strides = array<i32>} : memref<2x128xi32, #tpu.memory_space<vmem>>, vector<1x16xi32>,
    %and3A_1602 = arith.constant 1 : i32
    %and3A_1603 = vector.broadcast %and3A_1602 : i32 to vector<16xi32>
    %and3A_1604 = arith.andi %get3A_1578, %and3A_1603 : vector<16xi32>
    %convert_element_type3A_1605 = arith.sitofp %and3A_1604 : vector<16xi32> to vector<16xf32>
    %swap3A_1606 = arith.constant 1 : i32
    %swap3A_1607 = arith.index_cast %swap3A_1606 : i32 to index
    %swap3A_1608 = arith.constant 112 : index
    %swap3A_1609 = tpu.vector_load %arg13[%swap3A_1607, %swap3A_1608] {strides = array<i32>} : memref<2x128xf32, #tpu.memory_space<vmem>>, vector<1x16xf32>,
    %swap3A_1610 = vector.shape_cast %swap3A_1609 : vector<1x16xf32> to vector<16xf32>
    %swap3A_1611 = vector.shape_cast %convert_element_type3A_1605 : vector<16xf32> to vector<1x16xf32>
    tpu.vector_store %arg13[%swap3A_1607, %swap3A_1608], %swap3A_1611 {strides = array<i32>} : memref<2x128xf32, #tpu.memory_space<vmem>>, vector<1x16xf32>,
    %and3A_1612 = arith.constant 1 : i32
    %and3A_1613 = vector.broadcast %and3A_1612 : i32 to vector<16xi32>
    %and3A_1614 = arith.andi %get3A_1583, %and3A_1613 : vector<16xi32>
    %convert_element_type3A_1615 = arith.sitofp %and3A_1614 : vector<16xi32> to vector<16xf32>
    %swap3A_1616 = arith.constant 1 : i32
    %swap3A_1617 = arith.index_cast %swap3A_1616 : i32 to index
    %swap3A_1618 = arith.constant 112 : index
    %swap3A_1619 = tpu.vector_load %arg14[%swap3A_1617, %swap3A_1618] {strides = array<i32>} : memref<2x128xf32, #tpu.memory_space<vmem>>, vector<1x16xf32>,
    %swap3A_1620 = vector.shape_cast %swap3A_1619 : vector<1x16xf32> to vector<16xf32>
    %swap3A_1621 = vector.shape_cast %convert_element_type3A_1615 : vector<16xf32> to vector<1x16xf32>
    tpu.vector_store %arg14[%swap3A_1617, %swap3A_1618], %swap3A_1621 {strides = array<i32>} : memref<2x128xf32, #tpu.memory_space<vmem>>, vector<1x16xf32>,
    %mul3A_1622 = arith.constant 512 : i32
    %mul3A_1623 = arith.muli %add3A, %mul3A_1622 : i32
    %add3A_1624 = arith.constant 256 : i32
    %add3A_1625 = arith.addi %mul3A_1623, %add3A_1624 : i32
    "tpu.region"() ({
      %run_scoped3A = tpu.sem_alloc : memref<!tpu.dma_semaphore, #tpu.memory_space<semaphore_mem>>
      %dma_start3A = tpu.memref_slice %arg8[%add3A_1625] : memref<16384xf32, #tpu.memory_space<hbm>> -> memref<256xf32, #tpu.memory_space<hbm>>
      %dma_start3A_1626 = tpu.memref_slice %arg8[%add3A_1625] : memref<16384xf32, #tpu.memory_space<hbm>> -> memref<256xf32, #tpu.memory_space<hbm>>
      tpu.enqueue_dma source(%arg19 : memref<256xf32, #tpu.memory_space<vmem>>) target(%dma_start3A_1626 : memref<256xf32, #tpu.memory_space<hbm>>) target_semaphore(%run_scoped3A : memref<!tpu.dma_semaphore, #tpu.memory_space<semaphore_mem>>)
      %dma_wait3A = tpu.memref_slice %arg8[%add3A_1625] : memref<16384xf32, #tpu.memory_space<hbm>> -> memref<256xf32, #tpu.memory_space<hbm>>
      %dma_wait3A_1627 = tpu.memref_slice %arg8[%add3A_1625] : memref<16384xf32, #tpu.memory_space<hbm>> -> memref<256xf32, #tpu.memory_space<hbm>>
      tpu.wait_dma2 semaphore(%run_scoped3A : memref<!tpu.dma_semaphore, #tpu.memory_space<semaphore_mem>>) src(%arg19 : memref<256xf32, #tpu.memory_space<vmem>>) dst(%dma_wait3A_1627 : memref<256xf32, #tpu.memory_space<hbm>>)
      tpu.yield
    }) : () -> ()
    return
  }
}

</mosaic_0001>

<sc_bundles>
// kernel: kernel.3.cloned.1.call-start
scs
__scs_entry_jumppad:
0x0: {  	(pc) =	sbr.rel $0x88, $3  }
0x1: {  	(tag) =	ssettag $0x0;
	lr =	simm.s32 $0x1  }
0x2: {  	[smem:$0x3F9B] =	sst lr;
	_ =	strace $0xD0000000  }
0x3: {  	_ = 	snop  }
0x4: {  	_ = 	snop  }
0x5: {  	_ = 	snop  }
0x6: {  	_ = 	snop  }
0x7: {  	_ = 	snop  }
__scs_overlays_trampoline_lowered:
0x8: {  	[smem:$0x3FAA] =	sst s0  }
0x9: {  	[smem:$0x3FAB] =	sst s1  }
0xa: {  	[smem:$0x3FAC] =	sst s2  }
0xb: {  	[smem:$0x3FAD] =	sst s3  }
0xc: {  	[smem:$0x3FAE] =	sst s4  }
0xd: {  	[smem:$0x3FAF] =	sst s5  }
0xe: {  	[smem:$0x3FB0] =	sst s6  }
0xf: {  	[smem:$0x3FB1] =	sst s7  }
0x10: {  	[smem:$0x3FB2] =	sst s8  }
0x11: {  	[smem:$0x3FB3] =	sst s9;
	s0 =	simm.s32 @!p0 $0x0  }
0x12: {  	s1 =	sld [smem:$0x3F99];
	s0 =	simm.s32 @p0 $0x1  }
0x13: {  	[smem:$0x3FB4] =	sst s0;
	s0 =	simm.s32 @!p1 $0x0  }
0x14: {  	s2 =	sld [smem:$0x3F98];
	s0 =	simm.s32 @p1 $0x1  }
0x15: {  	[smem:$0x3FB5] =	sst s0;
	s0 =	simm.s32 @!p2 $0x0  }
0x16: {  	s3 =	sld [smem:$0x3FDB];
	s0 =	simm.s32 @p2 $0x1  }
0x17: {  	s4 =	simm.s32 $0x1BF5;
	[smem:$0x3FB7] =	sst s0  }
0x18: {  	s0 =	sld [smem:$0x3F9A];
	_ =	swait.ge [sflag:s4], $0x0  }
0x19: {  	s7 =	sld [smem:$0x3F9B]  }
0x1a: {  	s8 =	sadd.s32 $0xFFFFE003, lr  }
0x1b: {  	s9 =	sadd.s32 $0xFFFFFEF7, lr;
	s5 =	simm.s32 $0xFFFFFFFF;
	p2 =	slt.u32 s8, $0xFFFFF086  }
0x1c: {  	p1 =	slt.u32 s9, $0xF7A;
	s5 =	simm.s32 @!p2 $0x0  }
0x1d: {  	s5 =	simm.s32 @p1 $0x1;
	p0 =	seq.s32 s7, s2  }
0x1e: {  	s7 =	smul.u32 @!p0 $0xF7A, s2;
	p2 =	seq.s32 @!p0 s5, $0x0  }
0x1f: {  	s9 =	smul.u32 $0xF7A, s1;
	s8 =	simm.s32 @!p0 $0x1BF5;
	p2 =	por !p2, p0  }
0x20: {  	[sflag:s8] =	ssyncset.s32 @!p0 $0xFFFFF086;
	s6 =	sadd.s32 @!p0 s3, s7;
	s7 =	simm.s32 @!p0 $0x108  }
0x21: {  	s3 =	sadd.s32 s3, s9;
	s6 =	sadd.s32 @!p0 $0x88, s6;
	s7 =	simm.s32 @p2 $0x1082  }
0x22: {  	[simem:s7], [sflag:s8] =	dma.local @!p0 [hbm:s6], $0xF7A  }
0x23: {  	s9 =	sor.u32 $0xD0000000, s2;
	s6 =	simm.s32 $0x108;
	_ =	swait.ge @!p0 [sflag:s8], $0x0  }
0x24: {  	s3 =	sadd.s32 $0x88, s3;
	s6 =	simm.s32 @!p1 $0x1082;
	[sflag:s4] =	ssyncset.s32 $0xFFFFF086  }
0x25: {  	[simem:s6], [sflag:s4] =	dma.local [hbm:s3], $0xF7A  }
0x26: {  	[smem:$0x3F9B] =	sst s1;
	(tag) =	ssettag s2;
	_ =	strace s9  }
0x27: {  	s1 =	sld [smem:$0x3FAB]  }
0x28: {  	s2 =	sld [smem:$0x3FAC]  }
0x29: {  	s4 =	sld [smem:$0x3FAE]  }
0x2a: {  	p0 =	seq.s32 s5, $0x0;
	s5 =	sld [smem:$0x3FAF]  }
0x2b: {  	s6 =	sld [smem:$0x3FB0]  }
0x2c: {  	s7 =	sld [smem:$0x3FB1]  }
0x2d: {  	s3 =	simm.s32 $0x108;
	s8 =	sld [smem:$0x3FB2]  }
0x2e: {  	s3 =	simm.s32 @!p0 $0x1082;
	s9 =	sld [smem:$0x3FB3]  }
0x2f: {  	lr =	sadd.s32 s0, s3;
	s0 =	sld [smem:$0x3FAA]  }
0x30: {  	s3 =	sld [smem:$0x3FAD]  }
0x31: {  	[smem:$0x3FB6] =	sst s10  }
0x32: {  	s10 =	sld [smem:$0x3FB4];
	_ =	sdelay $0x3  }
0x33: {  	p0 =	seq.s32 s10, $0x1;
	s10 =	sld [smem:$0x3FB6];
	_ =	sdelay $0x3  }
0x34: {  	[smem:$0x3FB6] =	sst s10  }
0x35: {  	s10 =	sld [smem:$0x3FB5];
	_ =	sdelay $0x3  }
0x36: {  	p1 =	seq.s32 s10, $0x1;
	s10 =	sld [smem:$0x3FB6];
	_ =	sdelay $0x3  }
0x37: {  	[smem:$0x3FB6] =	sst s10  }
0x38: {  	s10 =	sld [smem:$0x3FB7]  }
0x39: {  	_ = 	snop;
	(pc) =	sbr.ind lr, $3  }
0x3a: {  	_ = 	snop  }
0x3b: {  	_ = 	snop  }
0x3c: {  	p2 =	seq.s32 s10, $0x1;
	s10 =	sld [smem:$0x3FB6]  }
0x3d: {  	_ =	shalt  }
0x3e: {  	_ =	shalt  }
0x3f: {  	_ =	shalt  }
0x40: {  	_ =	shalt  }
0x41: {  	_ =	shalt  }
0x42: {  	_ =	shalt  }
0x43: {  	_ =	shalt  }
0x44: {  	_ =	shalt  }
0x45: {  	_ =	shalt  }
0x46: {  	_ =	shalt  }
0x47: {  	_ =	shalt  }
0x48: {  	_ =	shalt  }
0x49: {  	_ =	shalt  }
0x4a: {  	_ =	shalt  }
0x4b: {  	_ =	shalt  }
0x4c: {  	_ =	shalt  }
0x4d: {  	_ =	shalt  }
0x4e: {  	_ =	shalt  }
0x4f: {  	_ =	shalt  }
0x50: {  	_ =	shalt  }
0x51: {  	_ =	shalt  }
0x52: {  	_ =	shalt  }
0x53: {  	_ =	shalt  }
0x54: {  	_ =	shalt  }
0x55: {  	_ =	shalt  }
0x56: {  	_ =	shalt  }
0x57: {  	_ =	shalt  }
0x58: {  	_ =	shalt  }
0x59: {  	_ =	shalt  }
0x5a: {  	_ =	shalt  }
0x5b: {  	_ =	shalt  }
0x5c: {  	_ =	shalt  }
0x5d: {  	_ =	shalt  }
0x5e: {  	_ =	shalt  }
0x5f: {  	_ =	shalt  }
0x60: {  	_ =	shalt  }
0x61: {  	_ =	shalt  }
0x62: {  	_ =	shalt  }
0x63: {  	_ =	shalt  }
0x64: {  	_ =	shalt  }
0x65: {  	_ =	shalt  }
0x66: {  	_ =	shalt  }
0x67: {  	_ =	shalt  }
0x68: {  	_ =	shalt  }
0x69: {  	_ =	shalt  }
0x6a: {  	_ =	shalt  }
0x6b: {  	_ =	shalt  }
0x6c: {  	_ =	shalt  }
0x6d: {  	_ =	shalt  }
0x6e: {  	_ =	shalt  }
0x6f: {  	_ =	shalt  }
0x70: {  	_ =	shalt  }
0x71: {  	_ =	shalt  }
0x72: {  	_ =	shalt  }
0x73: {  	_ =	shalt  }
0x74: {  	_ =	shalt  }
0x75: {  	_ =	shalt  }
0x76: {  	_ =	shalt  }
0x77: {  	_ =	shalt  }
0x78: {  	_ =	shalt  }
0x79: {  	_ =	shalt  }
0x7a: {  	_ =	shalt  }
0x7b: {  	_ =	shalt  }
0x7c: {  	_ =	shalt  }
0x7d: {  	_ =	shalt  }
0x7e: {  	_ =	shalt  }
0x7f: {  	_ =	shalt  }
0x80: {  	_ =	shalt  }
0x81: {  	_ =	shalt  }
0x82: {  	_ =	shalt  }
0x83: {  	_ =	shalt  }
0x84: {  	_ =	shalt  }
0x85: {  	_ =	shalt  }
0x86: {  	_ =	shalt  }
0x87: {  	_ =	shalt  }
.Lfunc_end0:
.L_simem_size_0:
called_computation_lowered:
.L_overlay_start_0:
0x88: {  	s2 =	sld [smem:$0x3FD9]  }
0x89: {  	s3 =	sld [smem:$0x3FFE];
	_ =	sdelay $0x1  }
0x8a: {  	s1 =	srdreg.scid  }
0x8b: {  	s0 =	sand.u32 $0x1, s1  }
0x8c: {  	s17 =	sshll.u32 s0, $0xA;
	s2 =	sadd.s32 s3, s2  }
0x8d: {  	s2 =	sadd.s32 s2, s17  }
0x8e: {  	[smem:$0x3FC2] =	sst s2  }
0x8f: {  	_ = 	snop  }
0x90: {  	s2 =	sld [smem:$0x3FC9]  }
0x91: {  	s18 =	sld [smem:$0x3FC8]  }
0x92: {  	s4 =	sld [smem:$0x3FC5]  }
0x93: {  	s5 =	sld [smem:$0x3FD0];
	(tm) =	ssettm $0x1  }
0x94: {  	s6 =	sld [smem:$0x3FFB];
	_ =	sdelay $0x3  }
0x95: {  	_ =	strace s6  }
0x96: {  	s6 =	sld [smem:$0x3FFC];
	_ =	sdelay $0x3  }
0x97: {  	_ =	strace s6  }
0x98: {  	s6 =	sld [smem:$0x3FFD];
	_ =	sdelay $0x3  }
0x99: {  	_ =	strace s6  }
0x9a: {  	_ =	strace $0x8FFFFFFF  }
0x9b: {  	s19 =	sld [smem:$0x3FDB];
	_ =	sdelay $0x1  }
0x9c: {  	s7 =	simm.s32 $_scs_section_size  }
0x9d: {  	s8 =	simm.s32 $_size__tile_overlayer_lowered;
	s9 =	simm.s32 $_tile_overlayer_lowered  }
0x9e: {  	s22 =	simm.s32 $0x1BFF;
	s21 =	sshll.u32 s9, $0x1;
	s6 =	sadd.s32 s7, s19  }
0x9f: {  	s10 =	simm.s32 $0x0;
	s20 =	sshll.u32 s8, $0x1;
	s8 =	sadd.s32 s21, s6  }
0xa0: {  	[timem:s10], [sflag:s22] =	dma.local [hbm:s8], s20  }
0xa1: {  	_ =	swait.ge [sflag:s22], s20  }
0xa2: {  	s7 =	ssub.s32 $0x0, s20;
	[sflag:s22] =	ssyncset.done $0x0  }
0xa3: {  	[sflag:s22] =	ssyncadd.s32 s7;
	_ =	sdelay $0x1  }
0xa4: {  	s23 =	simm.s32 $0x1B8B  }
0xa5: {  	_ =	swait.ge [sflag:s23], $0x1  }
0xa6: {  	[sflag:s23] =	ssyncset.done $0x0  }
0xa7: {  	s25 =	simm.s32 $0x1B8E;
	s24 =	sld [smem:$0x3FFE];
	[sflag:s23] =	ssyncadd.s32 $0xFFFFFFFF  }
0xa8: {  	s26 =	simm.s32 $execute0_lowered;
	[smem:$0x3FD2] =	sst s25  }
0xa9: {  	s8 =	sshll.u32 s26, $0x1;
	_ =	strace $0x80000046;
	[dreg:$0x1] =	wrdreg $0xFFFFFFFF  }
0xaa: {  	s28 =	simm.s32 $_size_execute0_lowered;
	s6 =	sadd.s32 s6, s8;
	[dreg:$0x0] =	wrdreg $0x0  }
0xab: {  	s8 =	sshll.u32 s28, $0x1;
	[dreg:$0x2] =	wrdreg s6  }
0xac: {  	[dreg:$0x3] =	wrdreg s8  }
0xad: {  	[dreg:$0x4] =	wrdreg $0xC0  }
0xae: {  	_ =	task [dreg:s10], $0x5FFFF  }
0xaf: {  	[dreg:$0x1] =	wrdreg $0xFFFFFFFF  }
0xb0: {  	[dreg:$0x0] =	wrdreg $0x60  }
0xb1: {  	[dreg:$0x2] =	wrdreg s2  }
0xb2: {  	[dreg:$0x3] =	wrdreg s18  }
0xb3: {  	[dreg:$0x4] =	wrdreg s4  }
0xb4: {  	[dreg:$0x5] =	wrdreg s24  }
0xb5: {  	[dreg:$0x6] =	wrdreg s5  }
0xb6: {  	[dreg:$0x7] =	wrdreg $0x9  }
0xb7: {  	_ =	task.clear_ibuf [dreg:s10], $0x8FFFF;
	_ =	strace $0x90000046  }
0xb8: {  	s29 =	simm.s32 $0x9;
	_ =	strace $0x80000048  }
0xb9: {  	_ =	swait.ge [sflag:s29], $0x1  }
0xba: {  	[sflag:s29] =	ssyncadd.s32 $0xFFFFFFFF  }
0xbb: {  	_ =	strace $0x90000048  }
0xbc: {  	_ =	sfence  }
0xbd: {  	s30 =	sld [smem:$0x0];
	_ =	sdelay $0x2  }
0xbe: {  	s31 =	sshll.u32 s1, $0xD;
	s1 =	sshrl.u32 s1, $0x2  }
0xbf: {  	s3 =	sand.u32 $0x4000, s31;
	s1 =	sadd.s32 s1, s30  }
0xc0: {  	s0 =	sor.u32 s3, s0;
	s1 =	sshll.u32 s1, $0x11  }
0xc1: {  	s0 =	sor.u32 s1, s0  }
0xc2: {  	s0 =	sadd.s32 $0x8F2B, s0  }
0xc3: {  	[sflag:s0] =	ssyncadd.remote.s32 $0x1  }
0xc4: {  	_ =	sfence.sel $0xFFFF  }
0xc5: {  	[dreg:$0x0] =	wrdreg $0xFFFFFFFF;
	(pc) =	sbr.abs _section_cstart, $3  }
0xc6: {  	[dreg:$0x1] =	wrdreg $0xFFFFFFFF  }
0xc7: {  	_ =	task.clear_ibuf [dreg:s10], $0x2FFFF;
	_ =	strace $0x9FFFFFFF  }
0xc8: {  	(tm) =	ssettm $0x7FFFFFFF  }
0xc9: {  	_ =	shalt  }
tec
execute0_lowered:
.L_overlay_start_1:
0x0: {  	(tag) =	ssettag $0x1  }
0x1: {  	s6 =	rddreg [dreg:$0x0]  }
0x2: {  	s7 =	rddreg [dreg:$0x1]  }
0x3: {  	s1 =	rddreg [dreg:$0x2]  }
0x4: {  	s4 =	rddreg [dreg:$0x3]  }
0x5: {  	s5 =	rddreg [dreg:$0x4]  }
0x6: {  	s0 =	rddreg [dreg:$0x5];
	s3 =	simm.s32 $0x0;
	s8 =	srdreg.scid  }
0x7: {  	s2 =	stileid.u32;
	s12 =	simm.s32 $0x800;
	s13 =	simm.s32 $0x840  }
0x8: {  	s14 =	simm.s32 $0x850;
	[smem:$0x7FF] =	sst s3;
	s8 =	sand.u32 $0x1, s8  }
0x9: {  	s10 =	sshll.u32 s2, $0x7;
	s4 =	sadd.s32 $0x600, s4;
	s9 =	ssub.s32 $0x2, s8  }
0xa: {  	s8 =	sshll.u32 s8, $0x6;
	_ =	strace $0x80000047;
	s11 =	sshrl.u32 s9, $0x1  }
0xb: {  	s8 =	sor.u32 s8, s10;
	s10 =	simm.s32 $0x1;
	s9 =	ssub.s32 s9, s11  }
0xc: {  	s5 =	sadd.s32 s5, s8;
	s6 =	sadd.s32 s6, s8;
	s7 =	sadd.s32 s7, s8  }
0xd: {  	s11 =	simm.s32 $0x200;
	s8 =	sadd.s32 $0x20, s5;
	s9 =	smax.u32 s9, $0x1  }
.LBB2_1:
0xe: {  	[tilespmem:s3], [sflag:$0x1] =	stream.linear.gather [hbm4b:s6+s3], $0x200, $0x38;
	[tilespmem:$0x950] =	vst v63  }
0xf: {  	_ =	swait.ge [sflag:s10], $0x200  }
0x10: {  	[sflag:s10] =	ssyncset.done $0x0  }
0x11: {  	[sflag:s10] =	ssyncadd.s32 $0xFFFFFE00  }
0x12: {  	[tilespmem:s11], [sflag:$0x1] =	stream.linear.gather [hbm4b:s7+s3], $0x200, $0x38;
	[tilespmem:$0x950] =	vst v63  }
0x13: {  	_ =	swait.ge [sflag:s10], $0x200  }
0x14: {  	[sflag:s10] =	ssyncset.done $0x0  }
0x15: {  	[sflag:s10] =	ssyncadd.s32 $0xFFFFFE00  }
0x16: {  	[tilespmem:s12], [sflag:$0x1] =	stream.linear.gather [hbm4b:s1+s3], $0x40, $0x38;
	[tilespmem:$0x950] =	vst v63  }
0x17: {  	_ =	swait.ge [sflag:s10], $0x40  }
0x18: {  	[sflag:s10] =	ssyncset.done $0x0  }
0x19: {  	[sflag:s10] =	ssyncadd.s32 $0xFFFFFFC0  }
0x1a: {  	[tilespmem:s13], [sflag:$0x1] =	stream.linear.gather [hbm4b:s4+s3], $0x10, $0x38;
	[tilespmem:$0x950] =	vst v63  }
0x1b: {  	_ =	swait.ge [sflag:s10], $0x10  }
0x1c: {  	[sflag:s10] =	ssyncset.done $0x0  }
0x1d: {  	[sflag:s10] =	ssyncadd.s32 $0xFFFFFFF0  }
0x1e: {  	v0 =	vld [tilespmem:$0x0]  }
0x1f: {  	v1 =	vld [tilespmem:$0x200]  }
0x20: {  	v2 =	vld [tilespmem:$0x10]  }
0x21: {  	v4 =	vld [tilespmem:$0x210]  }
0x22: {  	v21 =	vld [tilespmem:$0x20]  }
0x23: {  	v23 =	vld [tilespmem:$0x220];
	v3 =	vshrl.u32 v0, $0x1  }
0x24: {  	v26 =	vld [tilespmem:$0x30];
	v20 =	vshrl.u32 v1, $0x1;
	[tilespmem:$0x400] =	vst v3  }
0x25: {  	v28 =	vld [tilespmem:$0x230];
	v22 =	vshrl.u32 v2, $0x1;
	[tilespmem:$0x500] =	vst v20  }
0x26: {  	v31 =	vld [tilespmem:$0x40];
	v24 =	vshrl.u32 v4, $0x1;
	[tilespmem:$0x410] =	vst v22  }
0x27: {  	v33 =	vld [tilespmem:$0x240];
	v27 =	vshrl.u32 v21, $0x1;
	[tilespmem:$0x510] =	vst v24  }
0x28: {  	v36 =	vld [tilespmem:$0x50];
	v29 =	vshrl.u32 v23, $0x1;
	[tilespmem:$0x420] =	vst v27  }
0x29: {  	v38 =	vld [tilespmem:$0x250];
	v32 =	vshrl.u32 v26, $0x1;
	[tilespmem:$0x520] =	vst v29  }
0x2a: {  	v41 =	vld [tilespmem:$0x60];
	v34 =	vshrl.u32 v28, $0x1;
	[tilespmem:$0x430] =	vst v32  }
0x2b: {  	v43 =	vld [tilespmem:$0x260];
	v37 =	vshrl.u32 v31, $0x1;
	[tilespmem:$0x530] =	vst v34  }
0x2c: {  	v46 =	vld [tilespmem:$0x70];
	v39 =	vshrl.u32 v33, $0x1;
	[tilespmem:$0x440] =	vst v37  }
0x2d: {  	v48 =	vld [tilespmem:$0x270];
	v42 =	vshrl.u32 v36, $0x1;
	[tilespmem:$0x540] =	vst v39  }
0x2e: {  	v51 =	vld [tilespmem:$0x80];
	v44 =	vshrl.u32 v38, $0x1;
	[tilespmem:$0x450] =	vst v42  }
0x2f: {  	v53 =	vld [tilespmem:$0x280];
	v47 =	vshrl.u32 v41, $0x1;
	[tilespmem:$0x550] =	vst v44  }
0x30: {  	v56 =	vld [tilespmem:$0x90];
	v49 =	vshrl.u32 v43, $0x1;
	[tilespmem:$0x460] =	vst v47  }
0x31: {  	v58 =	vld [tilespmem:$0x290];
	v52 =	vshrl.u32 v46, $0x1;
	[tilespmem:$0x560] =	vst v49  }
0x32: {  	v61 =	vld [tilespmem:$0xA0];
	v54 =	vshrl.u32 v48, $0x1;
	[tilespmem:$0x470] =	vst v52  }
0x33: {  	v63 =	vld [tilespmem:$0x2A0];
	v57 =	vshrl.u32 v51, $0x1;
	[tilespmem:$0x570] =	vst v54  }
0x34: {  	v10 =	vld [tilespmem:$0xB0];
	v59 =	vshrl.u32 v53, $0x1;
	[tilespmem:$0x480] =	vst v57  }
0x35: {  	v12 =	vld [tilespmem:$0x2B0];
	v62 =	vshrl.u32 v56, $0x1;
	[tilespmem:$0x580] =	vst v59  }
0x36: {  	v17 =	vld [tilespmem:$0x2C0];
	v8 =	vshrl.u32 v58, $0x1;
	[tilespmem:$0x490] =	vst v62  }
0x37: {  	v11 =	vshrl.u32 v61, $0x1;
	[tilespmem:$0x590] =	vst v8  }
0x38: {  	v13 =	vshrl.u32 v63, $0x1;
	[tilespmem:$0x4A0] =	vst v11  }
0x39: {  	v16 =	vshrl.u32 v10, $0x1;
	[tilespmem:$0x5A0] =	vst v13  }
0x3a: {  	v0 =	vand.u32 $0x1, v0;
	v1 =	vand.u32 $0x1, v1;
	v18 =	vshrl.u32 v12, $0x1;
	[tilespmem:$0x4B0] =	vst v16  }
0x3b: {  	v0 =	vcvt.s32.f32 v0;
	v3 =	vand.u32 $0x1, v23;
	[tilespmem:$0x5B0] =	vst v18;
	v23 =	vshrl.u32 v17, $0x1  }
0x3c: {  	v2 =	vand.u32 $0x1, v2;
	v1 =	vcvt.s32.f32 v1;
	[tilespmem:$0x5C0] =	vst v23  }
0x3d: {  	v15 =	vld [tilespmem:$0xC0];
	v4 =	vand.u32 $0x1, v4;
	v2 =	vcvt.s32.f32 v2;
	[tilespmem:$0x600] =	vst v0  }
0x3e: {  	v25 =	vcvt.s32.f32 v4;
	[tilespmem:$0x700] =	vst v1  }
0x3f: {  	v4 =	vand.u32 $0x1, v28;
	v30 =	vcvt.s32.f32 v3;
	[tilespmem:$0x610] =	vst v2  }
0x40: {  	v35 =	vcvt.s32.f32 v4;
	[tilespmem:$0x710] =	vst v25  }
0x41: {  	v3 =	vand.u32 $0x1, v33;
	v4 =	vand.u32 $0x1, v38;
	[tilespmem:$0x720] =	vst v30  }
0x42: {  	v0 =	vand.u32 $0x1, v21;
	v40 =	vcvt.s32.f32 v3;
	v21 =	vshrl.u32 v15, $0x1;
	[tilespmem:$0x730] =	vst v35  }
0x43: {  	v45 =	vcvt.s32.f32 v4;
	[tilespmem:$0x4C0] =	vst v21  }
0x44: {  	v2 =	vand.u32 $0x1, v26;
	v0 =	vcvt.s32.f32 v0;
	[tilespmem:$0x740] =	vst v40  }
0x45: {  	v3 =	vand.u32 $0x1, v43;
	v2 =	vcvt.s32.f32 v2;
	[tilespmem:$0x750] =	vst v45  }
0x46: {  	v20 =	vld [tilespmem:$0xD0];
	v4 =	vand.u32 $0x1, v48;
	v50 =	vcvt.s32.f32 v3;
	[tilespmem:$0x620] =	vst v0  }
0x47: {  	v22 =	vld [tilespmem:$0x2D0];
	v55 =	vcvt.s32.f32 v4;
	v3 =	vand.u32 $0x1, v53;
	[tilespmem:$0x630] =	vst v2  }
0x48: {  	v27 =	vld [tilespmem:$0x2E0];
	v4 =	vand.u32 $0x1, v58;
	v60 =	vcvt.s32.f32 v3;
	[tilespmem:$0x760] =	vst v50  }
0x49: {  	v32 =	vld [tilespmem:$0x2F0];
	v9 =	vcvt.s32.f32 v4;
	[tilespmem:$0x770] =	vst v55  }
0x4a: {  	[tilespmem:$0x780] =	vst v60  }
0x4b: {  	v26 =	vshrl.u32 v20, $0x1;
	[tilespmem:$0x790] =	vst v9  }
0x4c: {  	v28 =	vshrl.u32 v22, $0x1;
	[tilespmem:$0x4D0] =	vst v26  }
0x4d: {  	v3 =	vand.u32 $0x1, v63;
	v33 =	vshrl.u32 v27, $0x1;
	[tilespmem:$0x5D0] =	vst v28  }
0x4e: {  	v4 =	vand.u32 $0x1, v12;
	v14 =	vcvt.s32.f32 v3;
	v37 =	vshrl.u32 v32, $0x1;
	[tilespmem:$0x5E0] =	vst v33  }
0x4f: {  	v0 =	vand.u32 $0x1, v31;
	v19 =	vcvt.s32.f32 v4;
	[tilespmem:$0x5F0] =	vst v37  }
0x50: {  	v25 =	vld [tilespmem:$0xE0];
	v2 =	vand.u32 $0x1, v36;
	v0 =	vcvt.s32.f32 v0;
	[tilespmem:$0x7A0] =	vst v14  }
0x51: {  	v3 =	vand.u32 $0x1, v17;
	v2 =	vcvt.s32.f32 v2;
	[tilespmem:$0x7B0] =	vst v19  }
0x52: {  	v4 =	vand.u32 $0x1, v22;
	v24 =	vcvt.s32.f32 v3;
	[tilespmem:$0x640] =	vst v0  }
0x53: {  	v29 =	vcvt.s32.f32 v4;
	[tilespmem:$0x650] =	vst v2  }
0x54: {  	v0 =	vand.u32 $0x1, v41;
	[tilespmem:$0x7C0] =	vst v24  }
0x55: {  	v38 =	vand.u32 $0x1, v32;
	v31 =	vshrl.u32 v25, $0x1;
	[tilespmem:$0x7D0] =	vst v29;
	v0 =	vcvt.s32.f32 v0  }
0x56: {  	v39 =	vcvt.s32.f32 v38;
	v2 =	vand.u32 $0x1, v46;
	[tilespmem:$0x4E0] =	vst v31  }
0x57: {  	v2 =	vcvt.s32.f32 v2;
	[tilespmem:$0x660] =	vst v0;
	v0 =	vand.u32 $0x1, v51  }
0x58: {  	v30 =	vld [tilespmem:$0xF0];
	v3 =	vand.u32 $0x1, v27;
	[tilespmem:$0x7F0] =	vst v39;
	v0 =	vcvt.s32.f32 v0  }
0x59: {  	v34 =	vcvt.s32.f32 v3;
	[tilespmem:$0x670] =	vst v2;
	v2 =	vand.u32 $0x1, v56  }
0x5a: {  	v2 =	vcvt.s32.f32 v2;
	[tilespmem:$0x680] =	vst v0;
	v0 =	vand.u32 $0x1, v61  }
0x5b: {  	[tilespmem:$0x7E0] =	vst v34;
	v0 =	vcvt.s32.f32 v0  }
0x5c: {  	[tilespmem:$0x690] =	vst v2;
	v2 =	vand.u32 $0x1, v10  }
0x5d: {  	v35 =	vshrl.u32 v30, $0x1;
	v2 =	vcvt.s32.f32 v2;
	[tilespmem:$0x6A0] =	vst v0;
	v0 =	vand.u32 $0x1, v15  }
0x5e: {  	v36 =	vand.u32 $0x1, v30;
	[tilespmem:$0x4F0] =	vst v35;
	v0 =	vcvt.s32.f32 v0  }
0x5f: {  	v1 =	vcvt.s32.f32 v36;
	[tilespmem:$0x6B0] =	vst v2;
	v2 =	vand.u32 $0x1, v20  }
0x60: {  	v2 =	vcvt.s32.f32 v2;
	[tilespmem:$0x6C0] =	vst v0;
	v0 =	vand.u32 $0x1, v25  }
0x61: {  	[tilespmem:$0x6F0] =	vst v1;
	v0 =	vcvt.s32.f32 v0  }
0x62: {  	[tilespmem:$0x6D0] =	vst v2  }
0x63: {  	[tilespmem:$0x6E0] =	vst v0  }
0x64: {  	[hbm4b:s5+s3] =	stream.linear.scatter [tilespmem:s14], [sflag:$0x1], $0x100, $0x38;
	[tilespmem:$0x950] =	vst v63  }
0x65: {  	_ =	swait.ge [sflag:s10], $0x100  }
0x66: {  	[sflag:s10] =	ssyncset.done $0x0  }
0x67: {  	[sflag:s10] =	ssyncadd.s32 $0xFFFFFF00  }
0x68: {  	v40 =	vld [tilespmem:$0x100]  }
0x69: {  	v41 =	vld [tilespmem:$0x300]  }
0x6a: {  	v42 =	vld [tilespmem:$0x110]  }
0x6b: {  	v44 =	vld [tilespmem:$0x310]  }
0x6c: {  	v46 =	vld [tilespmem:$0x120]  }
0x6d: {  	v48 =	vld [tilespmem:$0x320];
	v43 =	vshrl.u32 v40, $0x1  }
0x6e: {  	v51 =	vld [tilespmem:$0x130];
	v45 =	vshrl.u32 v41, $0x1;
	[tilespmem:$0x400] =	vst v43  }
0x6f: {  	v53 =	vld [tilespmem:$0x330];
	v47 =	vshrl.u32 v42, $0x1;
	[tilespmem:$0x500] =	vst v45  }
0x70: {  	v56 =	vld [tilespmem:$0x140];
	v49 =	vshrl.u32 v44, $0x1;
	[tilespmem:$0x410] =	vst v47  }
0x71: {  	v58 =	vld [tilespmem:$0x340];
	v52 =	vshrl.u32 v46, $0x1;
	[tilespmem:$0x510] =	vst v49  }
0x72: {  	v61 =	vld [tilespmem:$0x150];
	v54 =	vshrl.u32 v48, $0x1;
	[tilespmem:$0x420] =	vst v52  }
0x73: {  	v63 =	vld [tilespmem:$0x350];
	v57 =	vshrl.u32 v51, $0x1;
	[tilespmem:$0x520] =	vst v54  }
0x74: {  	v9 =	vld [tilespmem:$0x160];
	v59 =	vshrl.u32 v53, $0x1;
	[tilespmem:$0x430] =	vst v57  }
0x75: {  	v11 =	vld [tilespmem:$0x360];
	v62 =	vshrl.u32 v56, $0x1;
	[tilespmem:$0x530] =	vst v59  }
0x76: {  	v14 =	vld [tilespmem:$0x170];
	v7 =	vshrl.u32 v58, $0x1;
	[tilespmem:$0x440] =	vst v62  }
0x77: {  	v16 =	vld [tilespmem:$0x370];
	v10 =	vshrl.u32 v61, $0x1;
	[tilespmem:$0x540] =	vst v7  }
0x78: {  	v19 =	vld [tilespmem:$0x180];
	v12 =	vshrl.u32 v63, $0x1;
	[tilespmem:$0x450] =	vst v10  }
0x79: {  	v21 =	vld [tilespmem:$0x380];
	v15 =	vshrl.u32 v9, $0x1;
	[tilespmem:$0x550] =	vst v12  }
0x7a: {  	v24 =	vld [tilespmem:$0x190];
	v17 =	vshrl.u32 v11, $0x1;
	[tilespmem:$0x460] =	vst v15  }
0x7b: {  	v26 =	vld [tilespmem:$0x390];
	v20 =	vshrl.u32 v14, $0x1;
	[tilespmem:$0x560] =	vst v17  }
0x7c: {  	v29 =	vld [tilespmem:$0x1A0];
	v22 =	vshrl.u32 v16, $0x1;
	[tilespmem:$0x470] =	vst v20  }
0x7d: {  	v31 =	vld [tilespmem:$0x3A0];
	v25 =	vshrl.u32 v19, $0x1;
	[tilespmem:$0x570] =	vst v22  }
0x7e: {  	v34 =	vld [tilespmem:$0x1B0];
	v27 =	vshrl.u32 v21, $0x1;
	[tilespmem:$0x480] =	vst v25  }
0x7f: {  	v36 =	vld [tilespmem:$0x3B0];
	v30 =	vshrl.u32 v24, $0x1;
	[tilespmem:$0x580] =	vst v27  }
0x80: {  	v39 =	vld [tilespmem:$0x1C0];
	v32 =	vshrl.u32 v26, $0x1;
	[tilespmem:$0x490] =	vst v30  }
0x81: {  	v35 =	vshrl.u32 v29, $0x1;
	[tilespmem:$0x590] =	vst v32  }
0x82: {  	v37 =	vshrl.u32 v31, $0x1;
	[tilespmem:$0x4A0] =	vst v35  }
0x83: {  	v0 =	vand.u32 $0x1, v40;
	v40 =	vshrl.u32 v34, $0x1;
	[tilespmem:$0x5A0] =	vst v37  }
0x84: {  	v2 =	vand.u32 $0x1, v42;
	v42 =	vshrl.u32 v36, $0x1;
	[tilespmem:$0x4B0] =	vst v40  }
0x85: {  	v1 =	vand.u32 $0x1, v41;
	v0 =	vcvt.s32.f32 v0;
	[tilespmem:$0x5B0] =	vst v42;
	v45 =	vshrl.u32 v39, $0x1  }
0x86: {  	v1 =	vcvt.s32.f32 v1;
	[tilespmem:$0x4C0] =	vst v45  }
0x87: {  	v4 =	vand.u32 $0x1, v44;
	v2 =	vcvt.s32.f32 v2;
	[tilespmem:$0x600] =	vst v0  }
0x88: {  	v3 =	vand.u32 $0x1, v48;
	v50 =	vcvt.s32.f32 v4;
	[tilespmem:$0x700] =	vst v1  }
0x89: {  	v55 =	vcvt.s32.f32 v3;
	v4 =	vand.u32 $0x1, v53;
	[tilespmem:$0x610] =	vst v2  }
0x8a: {  	v3 =	vand.u32 $0x1, v58;
	v60 =	vcvt.s32.f32 v4;
	[tilespmem:$0x710] =	vst v50  }
0x8b: {  	v8 =	vcvt.s32.f32 v3;
	v4 =	vand.u32 $0x1, v63;
	[tilespmem:$0x720] =	vst v55  }
0x8c: {  	v3 =	vand.u32 $0x1, v11;
	v13 =	vcvt.s32.f32 v4;
	[tilespmem:$0x730] =	vst v60  }
0x8d: {  	v0 =	vand.u32 $0x1, v46;
	v18 =	vcvt.s32.f32 v3;
	[tilespmem:$0x740] =	vst v8  }
0x8e: {  	v41 =	vld [tilespmem:$0x3C0];
	v2 =	vand.u32 $0x1, v51;
	v0 =	vcvt.s32.f32 v0;
	[tilespmem:$0x750] =	vst v13  }
0x8f: {  	v44 =	vld [tilespmem:$0x1D0];
	v4 =	vand.u32 $0x1, v16;
	v2 =	vcvt.s32.f32 v2;
	[tilespmem:$0x760] =	vst v18  }
0x90: {  	v3 =	vand.u32 $0x1, v21;
	v23 =	vcvt.s32.f32 v4;
	[tilespmem:$0x620] =	vst v0  }
0x91: {  	v28 =	vcvt.s32.f32 v3;
	[tilespmem:$0x630] =	vst v2  }
0x92: {  	v49 =	vld [tilespmem:$0x1E0];
	[tilespmem:$0x770] =	vst v23  }
0x93: {  	v54 =	vld [tilespmem:$0x1F0];
	v4 =	vand.u32 $0x1, v26;
	v47 =	vshrl.u32 v41, $0x1;
	[tilespmem:$0x780] =	vst v28  }
0x94: {  	v3 =	vand.u32 $0x1, v31;
	v33 =	vcvt.s32.f32 v4;
	v50 =	vshrl.u32 v44, $0x1;
	[tilespmem:$0x5C0] =	vst v47  }
0x95: {  	v38 =	vcvt.s32.f32 v3;
	[tilespmem:$0x4D0] =	vst v50  }
0x96: {  	[tilespmem:$0x790] =	vst v33  }
0x97: {  	v4 =	vand.u32 $0x1, v36;
	v55 =	vshrl.u32 v49, $0x1;
	[tilespmem:$0x7A0] =	vst v38  }
0x98: {  	v46 =	vld [tilespmem:$0x3D0];
	v3 =	vand.u32 $0x1, v41;
	v43 =	vcvt.s32.f32 v4;
	v59 =	vshrl.u32 v54, $0x1;
	[tilespmem:$0x4E0] =	vst v55  }
0x99: {  	v51 =	vld [tilespmem:$0x3E0];
	v0 =	vand.u32 $0x1, v56;
	v48 =	vcvt.s32.f32 v3;
	[tilespmem:$0x4F0] =	vst v59  }
0x9a: {  	v2 =	vand.u32 $0x1, v61;
	v0 =	vcvt.s32.f32 v0;
	[tilespmem:$0x7B0] =	vst v43  }
0x9b: {  	v2 =	vcvt.s32.f32 v2;
	[tilespmem:$0x7C0] =	vst v48  }
0x9c: {  	[tilespmem:$0x640] =	vst v0  }
0x9d: {  	v60 =	vand.u32 $0x1, v54;
	v52 =	vshrl.u32 v46, $0x1;
	[tilespmem:$0x650] =	vst v2  }
0x9e: {  	v1 =	vcvt.s32.f32 v60;
	v57 =	vshrl.u32 v51, $0x1;
	v0 =	vand.u32 $0x1, v9;
	[tilespmem:$0x5D0] =	vst v52  }
0x9f: {  	v4 =	vand.u32 $0x1, v46;
	[tilespmem:$0x5E0] =	vst v57;
	v0 =	vcvt.s32.f32 v0  }
0xa0: {  	v2 =	vand.u32 $0x1, v14;
	v53 =	vcvt.s32.f32 v4;
	[tilespmem:$0x6F0] =	vst v1  }
0xa1: {  	v2 =	vcvt.s32.f32 v2;
	[tilespmem:$0x660] =	vst v0;
	v0 =	vand.u32 $0x1, v19  }
0xa2: {  	v56 =	vld [tilespmem:$0x3F0];
	v3 =	vand.u32 $0x1, v51;
	[tilespmem:$0x7D0] =	vst v53;
	v0 =	vcvt.s32.f32 v0  }
0xa3: {  	v58 =	vcvt.s32.f32 v3;
	[tilespmem:$0x670] =	vst v2;
	v2 =	vand.u32 $0x1, v24  }
0xa4: {  	v2 =	vcvt.s32.f32 v2;
	[tilespmem:$0x680] =	vst v0;
	v0 =	vand.u32 $0x1, v29  }
0xa5: {  	[tilespmem:$0x7E0] =	vst v58;
	v0 =	vcvt.s32.f32 v0  }
0xa6: {  	[tilespmem:$0x690] =	vst v2;
	v2 =	vand.u32 $0x1, v34  }
0xa7: {  	v61 =	vshrl.u32 v56, $0x1;
	v2 =	vcvt.s32.f32 v2;
	[tilespmem:$0x6A0] =	vst v0;
	v0 =	vand.u32 $0x1, v39  }
0xa8: {  	v62 =	vand.u32 $0x1, v56;
	[tilespmem:$0x5F0] =	vst v61;
	v0 =	vcvt.s32.f32 v0  }
0xa9: {  	v63 =	vcvt.s32.f32 v62;
	[tilespmem:$0x6B0] =	vst v2;
	v2 =	vand.u32 $0x1, v44  }
0xaa: {  	v2 =	vcvt.s32.f32 v2;
	[tilespmem:$0x6C0] =	vst v0;
	v0 =	vand.u32 $0x1, v49  }
0xab: {  	[tilespmem:$0x7F0] =	vst v63;
	v0 =	vcvt.s32.f32 v0  }
0xac: {  	p0 =	sne.s32 s9, $0x1;
	[tilespmem:$0x6D0] =	vst v2  }
.Ltmp0:
0xad: {  	[tilespmem:$0x6E0] =	vst v0;
	(pc) =	sbr.rel @p0 .LBB2_1-.Ltmp0, $4  }
0xae: {  	[hbm4b:s8+s3] =	stream.linear.scatter [tilespmem:s14], [sflag:$0x1], $0x100, $0x38;
	[tilespmem:$0x950] =	vst v63  }
0xaf: {  	_ =	swait.ge [sflag:s10], $0x100  }
0xb0: {  	[sflag:s10] =	ssyncset.done $0x0  }
0xb1: {  	s9 =	sadd.s32 $0xFFFFFFFF, s9;
	[sflag:s10] =	ssyncadd.s32 $0xFFFFFF00  }
0xb2: {  	_ =	sfence.sel $0x180000  }
0xb3: {  	[bflag:$0x0] =	sbarrier.arrive $0xFFFF  }
0xb4: {  	p0 =	sne.s32 s2, $0x0;
	_ =	strace $0x90000047  }
0xb5: {  	s0 =	sadd.s32 @!p0 $0x100000, s0;
	[bflag:$0x2] =	sbarrier.arrive $0xFFFF  }
0xb6: {  	[sflag:s0] =	ssyncadd.tile.s32 @!p0 $0x1;
	_ =	shalt  }
.Lfunc_end2:
_tile_overlayer_lowered:
.L_overlay_start_2:
0xb7: {  	(tag) =	ssettag $0x2  }
0xb8: {  	s0 =	rddreg [dreg:$0x0];
	s2 =	stileid.u32  }
0xb9: {  	s1 =	rddreg [dreg:$0x1];
	p0 =	sne.s32 s2, $0x0  }
0xba: {  	s3 =	rddreg [dreg:$0x2];
	[bflag:$0x3] =	sbarrier.arrive $0xFFFF;
	s2 =	simm.s32 @!p0 $0x1C01  }
0xbb: {  	[timem:s3], [sflag:s2] =	dma.local @!p0 [hbm:s0], s1  }
0xbc: {  	s0 =	simm.s32 @!p0 $0x1  }
0xbd: {  	_ =	swait.ge @!p0 [sflag:s0], s1  }
0xbe: {  	s1 =	ssub.s32 @!p0 $0x0, s1;
	[sflag:s0] =	ssyncset.done @!p0 $0x0  }
0xbf: {  	[sflag:s0] =	ssyncadd.s32 @!p0 s1  }
0xc0: {  	[bflag:$0x3] =	sbarrier.arrive $0xFFFF  }
0xc1: {  	_ =	shalt  }

</sc_bundles>
